<compile_context>
chip_gen: v7x
topology: tpu7x:2x2x1
jax: 0.10.2.dev20260603
libtpu: 0.0.44.dev20260713+nightly
codegen_flags: <defaults>
</compile_context>

<pallas_src>
import functools

import jax
import jax.numpy as jnp
from jax import lax
from jax.experimental import pallas as pl
from jax.experimental.pallas import tpu as pltpu
from jax.experimental.pallas import tpu_sc as plsc

DIM = 2048
INTER = 1408
E = 64
TOPK = 6
T = 2048
SHARED_INTER = 2 * INTER
N = T * TOPK

B = 256
NPAD = N + E * B
NBLK = NPAD // B
IC = 128
NI = INTER // IC
SIC = 256
NSI = SHARED_INTER // SIC

NW = 32
GC = 32
CT = 8


def _sc_gather_body(tok_hbm, x_hbm, out_hbm, idx_v, rows_v, sem):
    wid = lax.axis_index("s") * 2 + lax.axis_index("c")
    rows_per_w = NPAD // NW
    base = wid * rows_per_w

    def step(i, carry):
        off = base + i * GC
        pltpu.sync_copy(tok_hbm.at[pl.ds(off, GC)], idx_v)
        pltpu.async_copy(x_hbm.at[idx_v], rows_v, sem).wait()
        pltpu.sync_copy(rows_v, out_hbm.at[pl.ds(off, GC)])
        return carry

    lax.fori_loop(0, rows_per_w // GC, step, 0)


def _sc_gather(tok, x):
    mesh = plsc.VectorSubcoreMesh(core_axis_name="c", subcore_axis_name="s")
    f = functools.partial(
        pl.kernel,
        mesh=mesh,
        out_type=jax.ShapeDtypeStruct((NPAD, DIM), jnp.float32),
        scratch_types=[
            pltpu.VMEM((GC,), jnp.int32),
            pltpu.VMEM((GC, DIM), jnp.float32),
            pltpu.SemaphoreType.DMA,
        ],
    )(_sc_gather_body)
    return f(tok, x)


def _sc_combine_body(pos_hbm, outs_hbm, z_hbm, y_hbm, idx_v, rows_v, acc_v, sem):
    wid = lax.axis_index("s") * 2 + lax.axis_index("c")
    tok_per_w = T // NW
    base = wid * tok_per_w

    def step(i, carry):
        t0 = base + i * CT
        pltpu.sync_copy(pos_hbm.at[pl.ds(t0 * TOPK, CT * TOPK)], idx_v)
        pltpu.async_copy(outs_hbm.at[idx_v], rows_v, sem).wait()
        pltpu.sync_copy(z_hbm.at[pl.ds(t0, CT)], acc_v)

        def dstep(d, c2):
            for tt in range(CT):
                s = acc_v[tt, pl.ds(d * 16, 16)]
                for k in range(TOPK):
                    s = s + rows_v[tt * TOPK + k, pl.ds(d * 16, 16)]
                acc_v[tt, pl.ds(d * 16, 16)] = s
            return c2

        lax.fori_loop(0, DIM // 16, dstep, 0)
        pltpu.sync_copy(acc_v, y_hbm.at[pl.ds(t0, CT)])
        return carry

    lax.fori_loop(0, tok_per_w // CT, step, 0)


def _sc_combine(pos_flat, outs, z):
    mesh = plsc.VectorSubcoreMesh(core_axis_name="c", subcore_axis_name="s")
    f = functools.partial(
        pl.kernel,
        mesh=mesh,
        out_type=jax.ShapeDtypeStruct((T, DIM), jnp.float32),
        scratch_types=[
            pltpu.VMEM((CT * TOPK,), jnp.int32),
            pltpu.VMEM((CT * TOPK, DIM), jnp.float32),
            pltpu.VMEM((CT, DIM), jnp.float32),
            pltpu.SemaphoreType.DMA,
        ],
    )(_sc_combine_body)
    return f(pos_flat, outs, z)


def _gmm_kernel(be_ref, valid_ref, xs_ref, gate_ref, w1_ref, w3_ref, w2_ref,
                out_ref, acc_ref):
    i = pl.program_id(0)
    j = pl.program_id(1)

    @pl.when(j == 0)
    def _():
        acc_ref[...] = jnp.zeros_like(acc_ref)

    @pl.when(valid_ref[i] > 0)
    def _():
        xb = xs_ref[...]
        w1c = w1_ref[0]
        w3c = w3_ref[0]
        w2c = w2_ref[0]
        h1 = lax.dot_general(xb, w1c, (((1,), (1,)), ((), ())),
                             preferred_element_type=jnp.float32)
        h3 = lax.dot_general(xb, w3c, (((1,), (1,)), ((), ())),
                             preferred_element_type=jnp.float32)
        g = (h1 * jax.nn.sigmoid(h1)) * h3
        acc_ref[...] += lax.dot_general(g, w2c, (((1,), (1,)), ((), ())),
                                        preferred_element_type=jnp.float32)

    @pl.when(j == NI - 1)
    def _():
        out_ref[...] = acc_ref[...] * gate_ref[0, 0, :][:, None]


def _gmm(be, valid, xs, gates, w1, w3, w2):
    grid_spec = pltpu.PrefetchScalarGridSpec(
        num_scalar_prefetch=2,
        grid=(NBLK, NI),
        in_specs=[
            pl.BlockSpec((B, DIM),
                         lambda i, j, be, val: (jnp.where(val[i] > 0, i, 0), 0)),
            pl.BlockSpec((1, 1, B), lambda i, j, be, val: (i, 0, 0)),
            pl.BlockSpec((1, IC, DIM),
                         lambda i, j, be, val: (be[i], jnp.where(val[i] > 0, j, 0), 0)),
            pl.BlockSpec((1, IC, DIM),
                         lambda i, j, be, val: (be[i], jnp.where(val[i] > 0, j, 0), 0)),
            pl.BlockSpec((1, DIM, IC),
                         lambda i, j, be, val: (be[i], 0, jnp.where(val[i] > 0, j, 0))),
        ],
        out_specs=pl.BlockSpec((B, DIM), lambda i, j, be, val: (i, 0)),
        scratch_shapes=[pltpu.VMEM((B, DIM), jnp.float32)],
    )
    return pl.pallas_call(
        _gmm_kernel,
        grid_spec=grid_spec,
        out_shape=jax.ShapeDtypeStruct((NPAD, DIM), jnp.float32),
        compiler_params=pltpu.CompilerParams(
            dimension_semantics=("arbitrary", "arbitrary")),
    )(be, valid, xs, gates, w1, w3, w2)


def _shared_kernel(x_ref, sw1_ref, sw3_ref, sw2_ref, z_ref, acc_ref):
    j = pl.program_id(1)

    @pl.when(j == 0)
    def _():
        acc_ref[...] = jnp.zeros_like(acc_ref)

    xb = x_ref[...]
    h1 = lax.dot_general(xb, sw1_ref[...], (((1,), (1,)), ((), ())),
                         preferred_element_type=jnp.float32)
    h3 = lax.dot_general(xb, sw3_ref[...], (((1,), (1,)), ((), ())),
                         preferred_element_type=jnp.float32)
    g = (h1 * jax.nn.sigmoid(h1)) * h3
    acc_ref[...] += lax.dot_general(g, sw2_ref[...], (((1,), (1,)), ((), ())),
                                    preferred_element_type=jnp.float32)

    @pl.when(j == NSI - 1)
    def _():
        z_ref[...] = acc_ref[...]


def _shared_mlp(x, sw1, sw3, sw2):
    bt = 256
    return pl.pallas_call(
        _shared_kernel,
        grid=(T // bt, NSI),
        in_specs=[
            pl.BlockSpec((bt, DIM), lambda i, j: (i, 0)),
            pl.BlockSpec((SIC, DIM), lambda i, j: (j, 0)),
            pl.BlockSpec((SIC, DIM), lambda i, j: (j, 0)),
            pl.BlockSpec((DIM, SIC), lambda i, j: (0, j)),
        ],
        out_specs=pl.BlockSpec((bt, DIM), lambda i, j: (i, 0)),
        out_shape=jax.ShapeDtypeStruct((T, DIM), jnp.float32),
        scratch_shapes=[pltpu.VMEM((bt, DIM), jnp.float32)],
        compiler_params=pltpu.CompilerParams(
            dimension_semantics=("arbitrary", "arbitrary")),
    )(x, sw1, sw3, sw2)


def _route(indices, weights):
    ids = indices.reshape(-1).astype(jnp.int32)
    gvals = weights.reshape(-1).astype(jnp.float32)
    order = jnp.argsort(ids)
    es = ids[order]
    counts = jnp.bincount(ids, length=E).astype(jnp.int32)
    pc = ((counts + B - 1) // B) * B
    offs = jnp.concatenate([jnp.zeros((1,), jnp.int32),
                            jnp.cumsum(pc)[:-1].astype(jnp.int32)])
    ccounts = jnp.concatenate([jnp.zeros((1,), jnp.int32),
                               jnp.cumsum(counts)[:-1].astype(jnp.int32)])
    ranks = jnp.arange(N, dtype=jnp.int32) - ccounts[es]
    dest = offs[es] + ranks
    tok_sorted = jnp.zeros((NPAD,), jnp.int32).at[dest].set(
        (order // TOPK).astype(jnp.int32))
    gate_sorted = jnp.zeros((NPAD,), jnp.float32).at[dest].set(gvals[order])
    pos_flat = jnp.zeros((N,), jnp.int32).at[order].set(dest)
    total = jnp.sum(pc).astype(jnp.int32)
    bstart = jnp.arange(NBLK, dtype=jnp.int32) * B
    valid = (bstart < total).astype(jnp.int32)
    bclamp = jnp.minimum(bstart, total - 1)
    be = (jnp.searchsorted(offs, bclamp, side="right") - 1).astype(jnp.int32)
    return tok_sorted, gate_sorted, pos_flat, be, valid


def kernel(x, weights, indices, w1, w2, w3, sw1, sw2, sw3):
    tok_sorted, gate_sorted, pos_flat, be, valid = _route(indices, weights)
    xs = _sc_gather(tok_sorted, x)
    gates = gate_sorted.reshape(NBLK, 1, B)
    outs = _gmm(be, valid, xs, gates, w1, w3, w2)
    z = _shared_mlp(x, sw1, sw3, sw2)
    y = _sc_combine(pos_flat, outs, z)
    return y

# --- scband reference (transcript-rebuilt; emitter-appended) ---
"""Pipeline reference for scband-mo-e-80376017977412 (READ-ONLY COPY).

The authoritative reference and input builder live on the scoring server;
editing this copy changes nothing except your own understanding.
"""

import jax, jax.numpy as jnp
import numpy as np

DIM = 2048
INTER = 1408
E = 64
TOPK = 6
T = 2048
SHARED_INTER = 2 * INTER


def setup_inputs(seed: int = 0) -> dict:
    key = jax.random.key(seed)
    k = lambda i: jax.random.fold_in(key, i)
    x = jax.random.normal(k(0), (T, DIM), dtype=jnp.float32)
    weights = jax.random.uniform(k(1), (T, TOPK), dtype=jnp.float32)
    indices = jax.random.randint(k(2), (T, TOPK), 0, E)
    w1 = jax.random.normal(k(3), (E, INTER, DIM), dtype=jnp.float32) * 0.02
    w2 = jax.random.normal(k(4), (E, DIM, INTER), dtype=jnp.float32) * 0.02
    w3 = jax.random.normal(k(5), (E, INTER, DIM), dtype=jnp.float32) * 0.02
    sw1 = jax.random.normal(k(6), (SHARED_INTER, DIM), dtype=jnp.float32) * 0.02
    sw2 = jax.random.normal(k(7), (DIM, SHARED_INTER), dtype=jnp.float32) * 0.02
    sw3 = jax.random.normal(k(8), (SHARED_INTER, DIM), dtype=jnp.float32) * 0.02
    return {"x": x, "weights": weights, "indices": indices,
            "w1": w1, "w2": w2, "w3": w3,
            "sw1": sw1, "sw2": sw2, "sw3": sw3}


def _expert(xe, W1, W2, W3):
    # Expert: w2(silu(w1(x)) * w3(x)) with Linear weights stored [out, in]
    return (jax.nn.silu(xe @ W1.T) * (xe @ W3.T)) @ W2.T


def reference(x, weights, indices, w1, w2, w3, sw1, sw2, sw3):
    shape = x.shape
    y = jnp.zeros_like(x)
    counts = jnp.bincount(indices.reshape(-1), length=E)

    def body(y_acc, expert_data):
        e, W1, W2, W3 = expert_data
        out = _expert(x, W1, W2, W3)
        active = (counts[e] > 0).astype(x.dtype)
        for t in range(TOPK):
            g = jnp.where(indices[:, t] == e, weights[:, t], jnp.float32(0.0)) * active
            y_acc = y_acc + out * g[:, None]
        return y_acc, None

    y, _ = jax.lax.scan(body, y, (jnp.arange(E), w1, w2, w3))
    # shared experts MLP
    z = (jax.nn.silu(x @ sw1.T) * (x @ sw3.T)) @ sw2.T
    return (y + z).reshape(shape)

if __name__ == "__main__":
    import jax
    _d = setup_inputs()
    print(jax.jit(kernel)(*tuple(_d.values())))

</pallas_src>

<mosaic_0001>
#map = affine_map<(d0, d1) -> (0)>
#map1 = affine_map<(d0, d1) -> (0, 0)>
module attributes {stable_mosaic.version = 14 : i64} {
  func.func @_sc_combine_body(%arg0: i32, %arg1: i32, %arg2: memref<12288xi32, #tpu.memory_space<hbm>>, %arg3: memref<28672x2048xf32, #tpu.memory_space<hbm>>, %arg4: memref<2048x2048xf32, #tpu.memory_space<hbm>>, %arg5: memref<2048x2048xf32, #tpu.memory_space<hbm>>, %arg6: memref<48xi32, #tpu.memory_space<vmem>>, %arg7: memref<48x2048xf32, #tpu.memory_space<vmem>>, %arg8: memref<8x2048xf32, #tpu.memory_space<vmem>>, %arg9: memref<!tpu.dma_semaphore, #tpu.memory_space<semaphore_mem>>) attributes {dimension_semantics = [#tpu.dimension_semantics<core_parallel>, #tpu.dimension_semantics<subcore_parallel>], iteration_bounds = array<i64: 2, 16>, scalar_prefetch = 0 : i64, scratch_operands = 4 : i64, tpu.core_type = #tpu.core_type<sc_vector_subcore>, window_params = [{transform_indices = #map}, {transform_indices = #map1}, {transform_indices = #map1}, {transform_indices = #map1}]} {
    %mul3A = arith.constant 2 : i32
    %mul3A_0 = arith.muli %arg1, %mul3A : i32
    %add3A = arith.addi %mul3A_0, %arg0 : i32
    %mul3A_1 = arith.constant 64 : i32
    %mul3A_2 = arith.muli %add3A, %mul3A_1 : i32
    %scan3A = arith.constant 0 : i32
    %scan3A_3 = arith.constant 0 : i32
    %scan3A_4 = arith.constant 8 : i32
    %scan3A_5 = arith.addi %scan3A_3, %scan3A_4 : i32
    %scan3A_6 = arith.constant 1 : i32
    scf.for %scan3A_8 = %scan3A_3 to %scan3A_5 step %scan3A_6  : i32 {
      %mul3A_9 = arith.constant 8 : i32
      %mul3A_10 = arith.muli %scan3A_8, %mul3A_9 : i32
      %add3A_11 = arith.addi %mul3A_2, %mul3A_10 : i32
      %mul3A_12 = arith.constant 6 : i32
      %mul3A_13 = arith.muli %add3A_11, %mul3A_12 : i32
      "tpu.region"() ({
        %run_scoped3A = tpu.sem_alloc : memref<!tpu.dma_semaphore, #tpu.memory_space<semaphore_mem>>
        %dma_start3A_24 = tpu.memref_slice %arg2[%mul3A_13] : memref<12288xi32, #tpu.memory_space<hbm>> -> memref<48xi32, #tpu.memory_space<hbm>>
        %dma_start3A_25 = tpu.memref_slice %arg2[%mul3A_13] : memref<12288xi32, #tpu.memory_space<hbm>> -> memref<48xi32, #tpu.memory_space<hbm>>
        tpu.enqueue_dma source(%dma_start3A_25 : memref<48xi32, #tpu.memory_space<hbm>>) target(%arg6 : memref<48xi32, #tpu.memory_space<vmem>>) target_semaphore(%run_scoped3A : memref<!tpu.dma_semaphore, #tpu.memory_space<semaphore_mem>>)
        %dma_wait3A_26 = tpu.memref_slice %arg2[%mul3A_13] : memref<12288xi32, #tpu.memory_space<hbm>> -> memref<48xi32, #tpu.memory_space<hbm>>
        %dma_wait3A_27 = tpu.memref_slice %arg2[%mul3A_13] : memref<12288xi32, #tpu.memory_space<hbm>> -> memref<48xi32, #tpu.memory_space<hbm>>
        tpu.wait_dma2 semaphore(%run_scoped3A : memref<!tpu.dma_semaphore, #tpu.memory_space<semaphore_mem>>) src(%dma_wait3A_27 : memref<48xi32, #tpu.memory_space<hbm>>) dst(%arg6 : memref<48xi32, #tpu.memory_space<vmem>>)
        tpu.yield
      }) : () -> ()
      %dma_start3A = arith.constant 0 : i32
      %dma_start3A_14 = arith.constant 0 : i32
      %dma_start3A_15 = tpu.memref_slice %arg3[%dma_start3A, %dma_start3A_14] : memref<28672x2048xf32, #tpu.memory_space<hbm>> -> memref<28672x2048xf32, #tpu.memory_space<hbm>>
      tpu.enqueue_indirect_dma source(%dma_start3A_15 : memref<28672x2048xf32, #tpu.memory_space<hbm>>) target(%arg7 : memref<48x2048xf32, #tpu.memory_space<vmem>>) offsets(%arg6 : memref<48xi32, #tpu.memory_space<vmem>>) semaphore(%arg9 : memref<!tpu.dma_semaphore, #tpu.memory_space<semaphore_mem>>)
      %dma_wait3A = arith.constant 0 : i32
      %dma_wait3A_16 = arith.constant 0 : i32
      %dma_wait3A_17 = tpu.memref_slice %arg3[%dma_wait3A, %dma_wait3A_16] : memref<28672x2048xf32, #tpu.memory_space<hbm>> -> memref<28672x2048xf32, #tpu.memory_space<hbm>>
      tpu.wait_indirect_dma semaphore(%arg9 : memref<!tpu.dma_semaphore, #tpu.memory_space<semaphore_mem>>) src(%dma_wait3A_17 : memref<28672x2048xf32, #tpu.memory_space<hbm>>) dst(%arg7 : memref<48x2048xf32, #tpu.memory_space<vmem>>)
      "tpu.region"() ({
        %run_scoped3A = tpu.sem_alloc : memref<!tpu.dma_semaphore, #tpu.memory_space<semaphore_mem>>
        %dma_start3A_24 = arith.constant 0 : i32
        %dma_start3A_25 = tpu.memref_slice %arg4[%add3A_11, %dma_start3A_24] : memref<2048x2048xf32, #tpu.memory_space<hbm>> -> memref<8x2048xf32, #tpu.memory_space<hbm>>
        %dma_start3A_26 = arith.constant 0 : i32
        %dma_start3A_27 = tpu.memref_slice %arg4[%add3A_11, %dma_start3A_26] : memref<2048x2048xf32, #tpu.memory_space<hbm>> -> memref<8x2048xf32, #tpu.memory_space<hbm>>
        tpu.enqueue_dma source(%dma_start3A_27 : memref<8x2048xf32, #tpu.memory_space<hbm>>) target(%arg8 : memref<8x2048xf32, #tpu.memory_space<vmem>>) target_semaphore(%run_scoped3A : memref<!tpu.dma_semaphore, #tpu.memory_space<semaphore_mem>>)
        %dma_wait3A_28 = arith.constant 0 : i32
        %dma_wait3A_29 = tpu.memref_slice %arg4[%add3A_11, %dma_wait3A_28] : memref<2048x2048xf32, #tpu.memory_space<hbm>> -> memref<8x2048xf32, #tpu.memory_space<hbm>>
        %dma_wait3A_30 = arith.constant 0 : i32
        %dma_wait3A_31 = tpu.memref_slice %arg4[%add3A_11, %dma_wait3A_30] : memref<2048x2048xf32, #tpu.memory_space<hbm>> -> memref<8x2048xf32, #tpu.memory_space<hbm>>
        tpu.wait_dma2 semaphore(%run_scoped3A : memref<!tpu.dma_semaphore, #tpu.memory_space<semaphore_mem>>) src(%dma_wait3A_31 : memref<8x2048xf32, #tpu.memory_space<hbm>>) dst(%arg8 : memref<8x2048xf32, #tpu.memory_space<vmem>>)
        tpu.yield
      }) : () -> ()
      %scan3A_18 = arith.constant 0 : i32
      %scan3A_19 = arith.constant 0 : i32
      %scan3A_20 = arith.constant 128 : i32
      %scan3A_21 = arith.addi %scan3A_19, %scan3A_20 : i32
      %scan3A_22 = arith.constant 1 : i32
      scf.for %scan3A_24 = %scan3A_19 to %scan3A_21 step %scan3A_22  : i32 {
        %mul3A_25 = arith.constant 16 : i32
        %mul3A_26 = arith.muli %scan3A_24, %mul3A_25 : i32
        %get3A = arith.constant 0 : i32
        %get3A_27 = arith.index_cast %get3A : i32 to index
        %get3A_28 = arith.index_cast %mul3A_26 : i32 to index
        %get3A_29 = tpu.vector_load %arg8[%get3A_27, %get3A_28] {strides = array<i32>} : memref<8x2048xf32, #tpu.memory_space<vmem>>, vector<1x16xf32>,
        %get3A_30 = vector.shape_cast %get3A_29 : vector<1x16xf32> to vector<16xf32>
        %mul3A_31 = arith.constant 16 : i32
        %mul3A_32 = arith.muli %scan3A_24, %mul3A_31 : i32
        %get3A_33 = arith.constant 0 : i32
        %get3A_34 = arith.index_cast %get3A_33 : i32 to index
        %get3A_35 = arith.index_cast %mul3A_32 : i32 to index
        %get3A_36 = tpu.vector_load %arg7[%get3A_34, %get3A_35] {strides = array<i32>} : memref<48x2048xf32, #tpu.memory_space<vmem>>, vector<1x16xf32>,
        %get3A_37 = vector.shape_cast %get3A_36 : vector<1x16xf32> to vector<16xf32>
        %add3A_38 = arith.addf %get3A_30, %get3A_37 : vector<16xf32>
        %mul3A_39 = arith.constant 16 : i32
        %mul3A_40 = arith.muli %scan3A_24, %mul3A_39 : i32
        %get3A_41 = arith.constant 1 : i32
        %get3A_42 = arith.index_cast %get3A_41 : i32 to index
        %get3A_43 = arith.index_cast %mul3A_40 : i32 to index
        %get3A_44 = tpu.vector_load %arg7[%get3A_42, %get3A_43] {strides = array<i32>} : memref<48x2048xf32, #tpu.memory_space<vmem>>, vector<1x16xf32>,
        %get3A_45 = vector.shape_cast %get3A_44 : vector<1x16xf32> to vector<16xf32>
        %add3A_46 = arith.addf %add3A_38, %get3A_45 : vector<16xf32>
        %mul3A_47 = arith.constant 16 : i32
        %mul3A_48 = arith.muli %scan3A_24, %mul3A_47 : i32
        %get3A_49 = arith.constant 2 : i32
        %get3A_50 = arith.index_cast %get3A_49 : i32 to index
        %get3A_51 = arith.index_cast %mul3A_48 : i32 to index
        %get3A_52 = tpu.vector_load %arg7[%get3A_50, %get3A_51] {strides = array<i32>} : memref<48x2048xf32, #tpu.memory_space<vmem>>, vector<1x16xf32>,
        %get3A_53 = vector.shape_cast %get3A_52 : vector<1x16xf32> to vector<16xf32>
        %add3A_54 = arith.addf %add3A_46, %get3A_53 : vector<16xf32>
        %mul3A_55 = arith.constant 16 : i32
        %mul3A_56 = arith.muli %scan3A_24, %mul3A_55 : i32
        %get3A_57 = arith.constant 3 : i32
        %get3A_58 = arith.index_cast %get3A_57 : i32 to index
        %get3A_59 = arith.index_cast %mul3A_56 : i32 to index
        %get3A_60 = tpu.vector_load %arg7[%get3A_58, %get3A_59] {strides = array<i32>} : memref<48x2048xf32, #tpu.memory_space<vmem>>, vector<1x16xf32>,
        %get3A_61 = vector.shape_cast %get3A_60 : vector<1x16xf32> to vector<16xf32>
        %add3A_62 = arith.addf %add3A_54, %get3A_61 : vector<16xf32>
        %mul3A_63 = arith.constant 16 : i32
        %mul3A_64 = arith.muli %scan3A_24, %mul3A_63 : i32
        %get3A_65 = arith.constant 4 : i32
        %get3A_66 = arith.index_cast %get3A_65 : i32 to index
        %get3A_67 = arith.index_cast %mul3A_64 : i32 to index
        %get3A_68 = tpu.vector_load %arg7[%get3A_66, %get3A_67] {strides = array<i32>} : memref<48x2048xf32, #tpu.memory_space<vmem>>, vector<1x16xf32>,
        %get3A_69 = vector.shape_cast %get3A_68 : vector<1x16xf32> to vector<16xf32>
        %add3A_70 = arith.addf %add3A_62, %get3A_69 : vector<16xf32>
        %mul3A_71 = arith.constant 16 : i32
        %mul3A_72 = arith.muli %scan3A_24, %mul3A_71 : i32
        %get3A_73 = arith.constant 5 : i32
        %get3A_74 = arith.index_cast %get3A_73 : i32 to index
        %get3A_75 = arith.index_cast %mul3A_72 : i32 to index
        %get3A_76 = tpu.vector_load %arg7[%get3A_74, %get3A_75] {strides = array<i32>} : memref<48x2048xf32, #tpu.memory_space<vmem>>, vector<1x16xf32>,
        %get3A_77 = vector.shape_cast %get3A_76 : vector<1x16xf32> to vector<16xf32>
        %add3A_78 = arith.addf %add3A_70, %get3A_77 : vector<16xf32>
        %mul3A_79 = arith.constant 16 : i32
        %mul3A_80 = arith.muli %scan3A_24, %mul3A_79 : i32
        %swap3A = arith.constant 0 : i32
        %swap3A_81 = arith.index_cast %swap3A : i32 to index
        %swap3A_82 = arith.index_cast %mul3A_80 : i32 to index
        %swap3A_83 = tpu.vector_load %arg8[%swap3A_81, %swap3A_82] {strides = array<i32>} : memref<8x2048xf32, #tpu.memory_space<vmem>>, vector<1x16xf32>,
        %swap3A_84 = vector.shape_cast %swap3A_83 : vector<1x16xf32> to vector<16xf32>
        %swap3A_85 = vector.shape_cast %add3A_78 : vector<16xf32> to vector<1x16xf32>
        tpu.vector_store %arg8[%swap3A_81, %swap3A_82], %swap3A_85 {strides = array<i32>} : memref<8x2048xf32, #tpu.memory_space<vmem>>, vector<1x16xf32>,
        %mul3A_86 = arith.constant 16 : i32
        %mul3A_87 = arith.muli %scan3A_24, %mul3A_86 : i32
        %get3A_88 = arith.constant 1 : i32
        %get3A_89 = arith.index_cast %get3A_88 : i32 to index
        %get3A_90 = arith.index_cast %mul3A_87 : i32 to index
        %get3A_91 = tpu.vector_load %arg8[%get3A_89, %get3A_90] {strides = array<i32>} : memref<8x2048xf32, #tpu.memory_space<vmem>>, vector<1x16xf32>,
        %get3A_92 = vector.shape_cast %get3A_91 : vector<1x16xf32> to vector<16xf32>
        %mul3A_93 = arith.constant 16 : i32
        %mul3A_94 = arith.muli %scan3A_24, %mul3A_93 : i32
        %get3A_95 = arith.constant 6 : i32
        %get3A_96 = arith.index_cast %get3A_95 : i32 to index
        %get3A_97 = arith.index_cast %mul3A_94 : i32 to index
        %get3A_98 = tpu.vector_load %arg7[%get3A_96, %get3A_97] {strides = array<i32>} : memref<48x2048xf32, #tpu.memory_space<vmem>>, vector<1x16xf32>,
        %get3A_99 = vector.shape_cast %get3A_98 : vector<1x16xf32> to vector<16xf32>
        %add3A_100 = arith.addf %get3A_92, %get3A_99 : vector<16xf32>
        %mul3A_101 = arith.constant 16 : i32
        %mul3A_102 = arith.muli %scan3A_24, %mul3A_101 : i32
        %get3A_103 = arith.constant 7 : i32
        %get3A_104 = arith.index_cast %get3A_103 : i32 to index
        %get3A_105 = arith.index_cast %mul3A_102 : i32 to index
        %get3A_106 = tpu.vector_load %arg7[%get3A_104, %get3A_105] {strides = array<i32>} : memref<48x2048xf32, #tpu.memory_space<vmem>>, vector<1x16xf32>,
        %get3A_107 = vector.shape_cast %get3A_106 : vector<1x16xf32> to vector<16xf32>
        %add3A_108 = arith.addf %add3A_100, %get3A_107 : vector<16xf32>
        %mul3A_109 = arith.constant 16 : i32
        %mul3A_110 = arith.muli %scan3A_24, %mul3A_109 : i32
        %get3A_111 = arith.constant 8 : i32
        %get3A_112 = arith.index_cast %get3A_111 : i32 to index
        %get3A_113 = arith.index_cast %mul3A_110 : i32 to index
        %get3A_114 = tpu.vector_load %arg7[%get3A_112, %get3A_113] {strides = array<i32>} : memref<48x2048xf32, #tpu.memory_space<vmem>>, vector<1x16xf32>,
        %get3A_115 = vector.shape_cast %get3A_114 : vector<1x16xf32> to vector<16xf32>
        %add3A_116 = arith.addf %add3A_108, %get3A_115 : vector<16xf32>
        %mul3A_117 = arith.constant 16 : i32
        %mul3A_118 = arith.muli %scan3A_24, %mul3A_117 : i32
        %get3A_119 = arith.constant 9 : i32
        %get3A_120 = arith.index_cast %get3A_119 : i32 to index
        %get3A_121 = arith.index_cast %mul3A_118 : i32 to index
        %get3A_122 = tpu.vector_load %arg7[%get3A_120, %get3A_121] {strides = array<i32>} : memref<48x2048xf32, #tpu.memory_space<vmem>>, vector<1x16xf32>,
        %get3A_123 = vector.shape_cast %get3A_122 : vector<1x16xf32> to vector<16xf32>
        %add3A_124 = arith.addf %add3A_116, %get3A_123 : vector<16xf32>
        %mul3A_125 = arith.constant 16 : i32
        %mul3A_126 = arith.muli %scan3A_24, %mul3A_125 : i32
        %get3A_127 = arith.constant 10 : i32
        %get3A_128 = arith.index_cast %get3A_127 : i32 to index
        %get3A_129 = arith.index_cast %mul3A_126 : i32 to index
        %get3A_130 = tpu.vector_load %arg7[%get3A_128, %get3A_129] {strides = array<i32>} : memref<48x2048xf32, #tpu.memory_space<vmem>>, vector<1x16xf32>,
        %get3A_131 = vector.shape_cast %get3A_130 : vector<1x16xf32> to vector<16xf32>
        %add3A_132 = arith.addf %add3A_124, %get3A_131 : vector<16xf32>
        %mul3A_133 = arith.constant 16 : i32
        %mul3A_134 = arith.muli %scan3A_24, %mul3A_133 : i32
        %get3A_135 = arith.constant 11 : i32
        %get3A_136 = arith.index_cast %get3A_135 : i32 to index
        %get3A_137 = arith.index_cast %mul3A_134 : i32 to index
        %get3A_138 = tpu.vector_load %arg7[%get3A_136, %get3A_137] {strides = array<i32>} : memref<48x2048xf32, #tpu.memory_space<vmem>>, vector<1x16xf32>,
        %get3A_139 = vector.shape_cast %get3A_138 : vector<1x16xf32> to vector<16xf32>
        %add3A_140 = arith.addf %add3A_132, %get3A_139 : vector<16xf32>
        %mul3A_141 = arith.constant 16 : i32
        %mul3A_142 = arith.muli %scan3A_24, %mul3A_141 : i32
        %swap3A_143 = arith.constant 1 : i32
        %swap3A_144 = arith.index_cast %swap3A_143 : i32 to index
        %swap3A_145 = arith.index_cast %mul3A_142 : i32 to index
        %swap3A_146 = tpu.vector_load %arg8[%swap3A_144, %swap3A_145] {strides = array<i32>} : memref<8x2048xf32, #tpu.memory_space<vmem>>, vector<1x16xf32>,
        %swap3A_147 = vector.shape_cast %swap3A_146 : vector<1x16xf32> to vector<16xf32>
        %swap3A_148 = vector.shape_cast %add3A_140 : vector<16xf32> to vector<1x16xf32>
        tpu.vector_store %arg8[%swap3A_144, %swap3A_145], %swap3A_148 {strides = array<i32>} : memref<8x2048xf32, #tpu.memory_space<vmem>>, vector<1x16xf32>,
        %mul3A_149 = arith.constant 16 : i32
        %mul3A_150 = arith.muli %scan3A_24, %mul3A_149 : i32
        %get3A_151 = arith.constant 2 : i32
        %get3A_152 = arith.index_cast %get3A_151 : i32 to index
        %get3A_153 = arith.index_cast %mul3A_150 : i32 to index
        %get3A_154 = tpu.vector_load %arg8[%get3A_152, %get3A_153] {strides = array<i32>} : memref<8x2048xf32, #tpu.memory_space<vmem>>, vector<1x16xf32>,
        %get3A_155 = vector.shape_cast %get3A_154 : vector<1x16xf32> to vector<16xf32>
        %mul3A_156 = arith.constant 16 : i32
        %mul3A_157 = arith.muli %scan3A_24, %mul3A_156 : i32
        %get3A_158 = arith.constant 12 : i32
        %get3A_159 = arith.index_cast %get3A_158 : i32 to index
        %get3A_160 = arith.index_cast %mul3A_157 : i32 to index
        %get3A_161 = tpu.vector_load %arg7[%get3A_159, %get3A_160] {strides = array<i32>} : memref<48x2048xf32, #tpu.memory_space<vmem>>, vector<1x16xf32>,
        %get3A_162 = vector.shape_cast %get3A_161 : vector<1x16xf32> to vector<16xf32>
        %add3A_163 = arith.addf %get3A_155, %get3A_162 : vector<16xf32>
        %mul3A_164 = arith.constant 16 : i32
        %mul3A_165 = arith.muli %scan3A_24, %mul3A_164 : i32
        %get3A_166 = arith.constant 13 : i32
        %get3A_167 = arith.index_cast %get3A_166 : i32 to index
        %get3A_168 = arith.index_cast %mul3A_165 : i32 to index
        %get3A_169 = tpu.vector_load %arg7[%get3A_167, %get3A_168] {strides = array<i32>} : memref<48x2048xf32, #tpu.memory_space<vmem>>, vector<1x16xf32>,
        %get3A_170 = vector.shape_cast %get3A_169 : vector<1x16xf32> to vector<16xf32>
        %add3A_171 = arith.addf %add3A_163, %get3A_170 : vector<16xf32>
        %mul3A_172 = arith.constant 16 : i32
        %mul3A_173 = arith.muli %scan3A_24, %mul3A_172 : i32
        %get3A_174 = arith.constant 14 : i32
        %get3A_175 = arith.index_cast %get3A_174 : i32 to index
        %get3A_176 = arith.index_cast %mul3A_173 : i32 to index
        %get3A_177 = tpu.vector_load %arg7[%get3A_175, %get3A_176] {strides = array<i32>} : memref<48x2048xf32, #tpu.memory_space<vmem>>, vector<1x16xf32>,
        %get3A_178 = vector.shape_cast %get3A_177 : vector<1x16xf32> to vector<16xf32>
        %add3A_179 = arith.addf %add3A_171, %get3A_178 : vector<16xf32>
        %mul3A_180 = arith.constant 16 : i32
        %mul3A_181 = arith.muli %scan3A_24, %mul3A_180 : i32
        %get3A_182 = arith.constant 15 : i32
        %get3A_183 = arith.index_cast %get3A_182 : i32 to index
        %get3A_184 = arith.index_cast %mul3A_181 : i32 to index
        %get3A_185 = tpu.vector_load %arg7[%get3A_183, %get3A_184] {strides = array<i32>} : memref<48x2048xf32, #tpu.memory_space<vmem>>, vector<1x16xf32>,
        %get3A_186 = vector.shape_cast %get3A_185 : vector<1x16xf32> to vector<16xf32>
        %add3A_187 = arith.addf %add3A_179, %get3A_186 : vector<16xf32>
        %mul3A_188 = arith.constant 16 : i32
        %mul3A_189 = arith.muli %scan3A_24, %mul3A_188 : i32
        %get3A_190 = arith.constant 16 : i32
        %get3A_191 = arith.index_cast %get3A_190 : i32 to index
        %get3A_192 = arith.index_cast %mul3A_189 : i32 to index
        %get3A_193 = tpu.vector_load %arg7[%get3A_191, %get3A_192] {strides = array<i32>} : memref<48x2048xf32, #tpu.memory_space<vmem>>, vector<1x16xf32>,
        %get3A_194 = vector.shape_cast %get3A_193 : vector<1x16xf32> to vector<16xf32>
        %add3A_195 = arith.addf %add3A_187, %get3A_194 : vector<16xf32>
        %mul3A_196 = arith.constant 16 : i32
        %mul3A_197 = arith.muli %scan3A_24, %mul3A_196 : i32
        %get3A_198 = arith.constant 17 : i32
        %get3A_199 = arith.index_cast %get3A_198 : i32 to index
        %get3A_200 = arith.index_cast %mul3A_197 : i32 to index
        %get3A_201 = tpu.vector_load %arg7[%get3A_199, %get3A_200] {strides = array<i32>} : memref<48x2048xf32, #tpu.memory_space<vmem>>, vector<1x16xf32>,
        %get3A_202 = vector.shape_cast %get3A_201 : vector<1x16xf32> to vector<16xf32>
        %add3A_203 = arith.addf %add3A_195, %get3A_202 : vector<16xf32>
        %mul3A_204 = arith.constant 16 : i32
        %mul3A_205 = arith.muli %scan3A_24, %mul3A_204 : i32
        %swap3A_206 = arith.constant 2 : i32
        %swap3A_207 = arith.index_cast %swap3A_206 : i32 to index
        %swap3A_208 = arith.index_cast %mul3A_205 : i32 to index
        %swap3A_209 = tpu.vector_load %arg8[%swap3A_207, %swap3A_208] {strides = array<i32>} : memref<8x2048xf32, #tpu.memory_space<vmem>>, vector<1x16xf32>,
        %swap3A_210 = vector.shape_cast %swap3A_209 : vector<1x16xf32> to vector<16xf32>
        %swap3A_211 = vector.shape_cast %add3A_203 : vector<16xf32> to vector<1x16xf32>
        tpu.vector_store %arg8[%swap3A_207, %swap3A_208], %swap3A_211 {strides = array<i32>} : memref<8x2048xf32, #tpu.memory_space<vmem>>, vector<1x16xf32>,
        %mul3A_212 = arith.constant 16 : i32
        %mul3A_213 = arith.muli %scan3A_24, %mul3A_212 : i32
        %get3A_214 = arith.constant 3 : i32
        %get3A_215 = arith.index_cast %get3A_214 : i32 to index
        %get3A_216 = arith.index_cast %mul3A_213 : i32 to index
        %get3A_217 = tpu.vector_load %arg8[%get3A_215, %get3A_216] {strides = array<i32>} : memref<8x2048xf32, #tpu.memory_space<vmem>>, vector<1x16xf32>,
        %get3A_218 = vector.shape_cast %get3A_217 : vector<1x16xf32> to vector<16xf32>
        %mul3A_219 = arith.constant 16 : i32
        %mul3A_220 = arith.muli %scan3A_24, %mul3A_219 : i32
        %get3A_221 = arith.constant 18 : i32
        %get3A_222 = arith.index_cast %get3A_221 : i32 to index
        %get3A_223 = arith.index_cast %mul3A_220 : i32 to index
        %get3A_224 = tpu.vector_load %arg7[%get3A_222, %get3A_223] {strides = array<i32>} : memref<48x2048xf32, #tpu.memory_space<vmem>>, vector<1x16xf32>,
        %get3A_225 = vector.shape_cast %get3A_224 : vector<1x16xf32> to vector<16xf32>
        %add3A_226 = arith.addf %get3A_218, %get3A_225 : vector<16xf32>
        %mul3A_227 = arith.constant 16 : i32
        %mul3A_228 = arith.muli %scan3A_24, %mul3A_227 : i32
        %get3A_229 = arith.constant 19 : i32
        %get3A_230 = arith.index_cast %get3A_229 : i32 to index
        %get3A_231 = arith.index_cast %mul3A_228 : i32 to index
        %get3A_232 = tpu.vector_load %arg7[%get3A_230, %get3A_231] {strides = array<i32>} : memref<48x2048xf32, #tpu.memory_space<vmem>>, vector<1x16xf32>,
        %get3A_233 = vector.shape_cast %get3A_232 : vector<1x16xf32> to vector<16xf32>
        %add3A_234 = arith.addf %add3A_226, %get3A_233 : vector<16xf32>
        %mul3A_235 = arith.constant 16 : i32
        %mul3A_236 = arith.muli %scan3A_24, %mul3A_235 : i32
        %get3A_237 = arith.constant 20 : i32
        %get3A_238 = arith.index_cast %get3A_237 : i32 to index
        %get3A_239 = arith.index_cast %mul3A_236 : i32 to index
        %get3A_240 = tpu.vector_load %arg7[%get3A_238, %get3A_239] {strides = array<i32>} : memref<48x2048xf32, #tpu.memory_space<vmem>>, vector<1x16xf32>,
        %get3A_241 = vector.shape_cast %get3A_240 : vector<1x16xf32> to vector<16xf32>
        %add3A_242 = arith.addf %add3A_234, %get3A_241 : vector<16xf32>
        %mul3A_243 = arith.constant 16 : i32
        %mul3A_244 = arith.muli %scan3A_24, %mul3A_243 : i32
        %get3A_245 = arith.constant 21 : i32
        %get3A_246 = arith.index_cast %get3A_245 : i32 to index
        %get3A_247 = arith.index_cast %mul3A_244 : i32 to index
        %get3A_248 = tpu.vector_load %arg7[%get3A_246, %get3A_247] {strides = array<i32>} : memref<48x2048xf32, #tpu.memory_space<vmem>>, vector<1x16xf32>,
        %get3A_249 = vector.shape_cast %get3A_248 : vector<1x16xf32> to vector<16xf32>
        %add3A_250 = arith.addf %add3A_242, %get3A_249 : vector<16xf32>
        %mul3A_251 = arith.constant 16 : i32
        %mul3A_252 = arith.muli %scan3A_24, %mul3A_251 : i32
        %get3A_253 = arith.constant 22 : i32
        %get3A_254 = arith.index_cast %get3A_253 : i32 to index
        %get3A_255 = arith.index_cast %mul3A_252 : i32 to index
        %get3A_256 = tpu.vector_load %arg7[%get3A_254, %get3A_255] {strides = array<i32>} : memref<48x2048xf32, #tpu.memory_space<vmem>>, vector<1x16xf32>,
        %get3A_257 = vector.shape_cast %get3A_256 : vector<1x16xf32> to vector<16xf32>
        %add3A_258 = arith.addf %add3A_250, %get3A_257 : vector<16xf32>
        %mul3A_259 = arith.constant 16 : i32
        %mul3A_260 = arith.muli %scan3A_24, %mul3A_259 : i32
        %get3A_261 = arith.constant 23 : i32
        %get3A_262 = arith.index_cast %get3A_261 : i32 to index
        %get3A_263 = arith.index_cast %mul3A_260 : i32 to index
        %get3A_264 = tpu.vector_load %arg7[%get3A_262, %get3A_263] {strides = array<i32>} : memref<48x2048xf32, #tpu.memory_space<vmem>>, vector<1x16xf32>,
        %get3A_265 = vector.shape_cast %get3A_264 : vector<1x16xf32> to vector<16xf32>
        %add3A_266 = arith.addf %add3A_258, %get3A_265 : vector<16xf32>
        %mul3A_267 = arith.constant 16 : i32
        %mul3A_268 = arith.muli %scan3A_24, %mul3A_267 : i32
        %swap3A_269 = arith.constant 3 : i32
        %swap3A_270 = arith.index_cast %swap3A_269 : i32 to index
        %swap3A_271 = arith.index_cast %mul3A_268 : i32 to index
        %swap3A_272 = tpu.vector_load %arg8[%swap3A_270, %swap3A_271] {strides = array<i32>} : memref<8x2048xf32, #tpu.memory_space<vmem>>, vector<1x16xf32>,
        %swap3A_273 = vector.shape_cast %swap3A_272 : vector<1x16xf32> to vector<16xf32>
        %swap3A_274 = vector.shape_cast %add3A_266 : vector<16xf32> to vector<1x16xf32>
        tpu.vector_store %arg8[%swap3A_270, %swap3A_271], %swap3A_274 {strides = array<i32>} : memref<8x2048xf32, #tpu.memory_space<vmem>>, vector<1x16xf32>,
        %mul3A_275 = arith.constant 16 : i32
        %mul3A_276 = arith.muli %scan3A_24, %mul3A_275 : i32
        %get3A_277 = arith.constant 4 : i32
        %get3A_278 = arith.index_cast %get3A_277 : i32 to index
        %get3A_279 = arith.index_cast %mul3A_276 : i32 to index
        %get3A_280 = tpu.vector_load %arg8[%get3A_278, %get3A_279] {strides = array<i32>} : memref<8x2048xf32, #tpu.memory_space<vmem>>, vector<1x16xf32>,
        %get3A_281 = vector.shape_cast %get3A_280 : vector<1x16xf32> to vector<16xf32>
        %mul3A_282 = arith.constant 16 : i32
        %mul3A_283 = arith.muli %scan3A_24, %mul3A_282 : i32
        %get3A_284 = arith.constant 24 : i32
        %get3A_285 = arith.index_cast %get3A_284 : i32 to index
        %get3A_286 = arith.index_cast %mul3A_283 : i32 to index
        %get3A_287 = tpu.vector_load %arg7[%get3A_285, %get3A_286] {strides = array<i32>} : memref<48x2048xf32, #tpu.memory_space<vmem>>, vector<1x16xf32>,
        %get3A_288 = vector.shape_cast %get3A_287 : vector<1x16xf32> to vector<16xf32>
        %add3A_289 = arith.addf %get3A_281, %get3A_288 : vector<16xf32>
        %mul3A_290 = arith.constant 16 : i32
        %mul3A_291 = arith.muli %scan3A_24, %mul3A_290 : i32
        %get3A_292 = arith.constant 25 : i32
        %get3A_293 = arith.index_cast %get3A_292 : i32 to index
        %get3A_294 = arith.index_cast %mul3A_291 : i32 to index
        %get3A_295 = tpu.vector_load %arg7[%get3A_293, %get3A_294] {strides = array<i32>} : memref<48x2048xf32, #tpu.memory_space<vmem>>, vector<1x16xf32>,
        %get3A_296 = vector.shape_cast %get3A_295 : vector<1x16xf32> to vector<16xf32>
        %add3A_297 = arith.addf %add3A_289, %get3A_296 : vector<16xf32>
        %mul3A_298 = arith.constant 16 : i32
        %mul3A_299 = arith.muli %scan3A_24, %mul3A_298 : i32
        %get3A_300 = arith.constant 26 : i32
        %get3A_301 = arith.index_cast %get3A_300 : i32 to index
        %get3A_302 = arith.index_cast %mul3A_299 : i32 to index
        %get3A_303 = tpu.vector_load %arg7[%get3A_301, %get3A_302] {strides = array<i32>} : memref<48x2048xf32, #tpu.memory_space<vmem>>, vector<1x16xf32>,
        %get3A_304 = vector.shape_cast %get3A_303 : vector<1x16xf32> to vector<16xf32>
        %add3A_305 = arith.addf %add3A_297, %get3A_304 : vector<16xf32>
        %mul3A_306 = arith.constant 16 : i32
        %mul3A_307 = arith.muli %scan3A_24, %mul3A_306 : i32
        %get3A_308 = arith.constant 27 : i32
        %get3A_309 = arith.index_cast %get3A_308 : i32 to index
        %get3A_310 = arith.index_cast %mul3A_307 : i32 to index
        %get3A_311 = tpu.vector_load %arg7[%get3A_309, %get3A_310] {strides = array<i32>} : memref<48x2048xf32, #tpu.memory_space<vmem>>, vector<1x16xf32>,
        %get3A_312 = vector.shape_cast %get3A_311 : vector<1x16xf32> to vector<16xf32>
        %add3A_313 = arith.addf %add3A_305, %get3A_312 : vector<16xf32>
        %mul3A_314 = arith.constant 16 : i32
        %mul3A_315 = arith.muli %scan3A_24, %mul3A_314 : i32
        %get3A_316 = arith.constant 28 : i32
        %get3A_317 = arith.index_cast %get3A_316 : i32 to index
        %get3A_318 = arith.index_cast %mul3A_315 : i32 to index
        %get3A_319 = tpu.vector_load %arg7[%get3A_317, %get3A_318] {strides = array<i32>} : memref<48x2048xf32, #tpu.memory_space<vmem>>, vector<1x16xf32>,
        %get3A_320 = vector.shape_cast %get3A_319 : vector<1x16xf32> to vector<16xf32>
        %add3A_321 = arith.addf %add3A_313, %get3A_320 : vector<16xf32>
        %mul3A_322 = arith.constant 16 : i32
        %mul3A_323 = arith.muli %scan3A_24, %mul3A_322 : i32
        %get3A_324 = arith.constant 29 : i32
        %get3A_325 = arith.index_cast %get3A_324 : i32 to index
        %get3A_326 = arith.index_cast %mul3A_323 : i32 to index
        %get3A_327 = tpu.vector_load %arg7[%get3A_325, %get3A_326] {strides = array<i32>} : memref<48x2048xf32, #tpu.memory_space<vmem>>, vector<1x16xf32>,
        %get3A_328 = vector.shape_cast %get3A_327 : vector<1x16xf32> to vector<16xf32>
        %add3A_329 = arith.addf %add3A_321, %get3A_328 : vector<16xf32>
        %mul3A_330 = arith.constant 16 : i32
        %mul3A_331 = arith.muli %scan3A_24, %mul3A_330 : i32
        %swap3A_332 = arith.constant 4 : i32
        %swap3A_333 = arith.index_cast %swap3A_332 : i32 to index
        %swap3A_334 = arith.index_cast %mul3A_331 : i32 to index
        %swap3A_335 = tpu.vector_load %arg8[%swap3A_333, %swap3A_334] {strides = array<i32>} : memref<8x2048xf32, #tpu.memory_space<vmem>>, vector<1x16xf32>,
        %swap3A_336 = vector.shape_cast %swap3A_335 : vector<1x16xf32> to vector<16xf32>
        %swap3A_337 = vector.shape_cast %add3A_329 : vector<16xf32> to vector<1x16xf32>
        tpu.vector_store %arg8[%swap3A_333, %swap3A_334], %swap3A_337 {strides = array<i32>} : memref<8x2048xf32, #tpu.memory_space<vmem>>, vector<1x16xf32>,
        %mul3A_338 = arith.constant 16 : i32
        %mul3A_339 = arith.muli %scan3A_24, %mul3A_338 : i32
        %get3A_340 = arith.constant 5 : i32
        %get3A_341 = arith.index_cast %get3A_340 : i32 to index
        %get3A_342 = arith.index_cast %mul3A_339 : i32 to index
        %get3A_343 = tpu.vector_load %arg8[%get3A_341, %get3A_342] {strides = array<i32>} : memref<8x2048xf32, #tpu.memory_space<vmem>>, vector<1x16xf32>,
        %get3A_344 = vector.shape_cast %get3A_343 : vector<1x16xf32> to vector<16xf32>
        %mul3A_345 = arith.constant 16 : i32
        %mul3A_346 = arith.muli %scan3A_24, %mul3A_345 : i32
        %get3A_347 = arith.constant 30 : i32
        %get3A_348 = arith.index_cast %get3A_347 : i32 to index
        %get3A_349 = arith.index_cast %mul3A_346 : i32 to index
        %get3A_350 = tpu.vector_load %arg7[%get3A_348, %get3A_349] {strides = array<i32>} : memref<48x2048xf32, #tpu.memory_space<vmem>>, vector<1x16xf32>,
        %get3A_351 = vector.shape_cast %get3A_350 : vector<1x16xf32> to vector<16xf32>
        %add3A_352 = arith.addf %get3A_344, %get3A_351 : vector<16xf32>
        %mul3A_353 = arith.constant 16 : i32
        %mul3A_354 = arith.muli %scan3A_24, %mul3A_353 : i32
        %get3A_355 = arith.constant 31 : i32
        %get3A_356 = arith.index_cast %get3A_355 : i32 to index
        %get3A_357 = arith.index_cast %mul3A_354 : i32 to index
        %get3A_358 = tpu.vector_load %arg7[%get3A_356, %get3A_357] {strides = array<i32>} : memref<48x2048xf32, #tpu.memory_space<vmem>>, vector<1x16xf32>,
        %get3A_359 = vector.shape_cast %get3A_358 : vector<1x16xf32> to vector<16xf32>
        %add3A_360 = arith.addf %add3A_352, %get3A_359 : vector<16xf32>
        %mul3A_361 = arith.constant 16 : i32
        %mul3A_362 = arith.muli %scan3A_24, %mul3A_361 : i32
        %get3A_363 = arith.constant 32 : i32
        %get3A_364 = arith.index_cast %get3A_363 : i32 to index
        %get3A_365 = arith.index_cast %mul3A_362 : i32 to index
        %get3A_366 = tpu.vector_load %arg7[%get3A_364, %get3A_365] {strides = array<i32>} : memref<48x2048xf32, #tpu.memory_space<vmem>>, vector<1x16xf32>,
        %get3A_367 = vector.shape_cast %get3A_366 : vector<1x16xf32> to vector<16xf32>
        %add3A_368 = arith.addf %add3A_360, %get3A_367 : vector<16xf32>
        %mul3A_369 = arith.constant 16 : i32
        %mul3A_370 = arith.muli %scan3A_24, %mul3A_369 : i32
        %get3A_371 = arith.constant 33 : i32
        %get3A_372 = arith.index_cast %get3A_371 : i32 to index
        %get3A_373 = arith.index_cast %mul3A_370 : i32 to index
        %get3A_374 = tpu.vector_load %arg7[%get3A_372, %get3A_373] {strides = array<i32>} : memref<48x2048xf32, #tpu.memory_space<vmem>>, vector<1x16xf32>,
        %get3A_375 = vector.shape_cast %get3A_374 : vector<1x16xf32> to vector<16xf32>
        %add3A_376 = arith.addf %add3A_368, %get3A_375 : vector<16xf32>
        %mul3A_377 = arith.constant 16 : i32
        %mul3A_378 = arith.muli %scan3A_24, %mul3A_377 : i32
        %get3A_379 = arith.constant 34 : i32
        %get3A_380 = arith.index_cast %get3A_379 : i32 to index
        %get3A_381 = arith.index_cast %mul3A_378 : i32 to index
        %get3A_382 = tpu.vector_load %arg7[%get3A_380, %get3A_381] {strides = array<i32>} : memref<48x2048xf32, #tpu.memory_space<vmem>>, vector<1x16xf32>,
        %get3A_383 = vector.shape_cast %get3A_382 : vector<1x16xf32> to vector<16xf32>
        %add3A_384 = arith.addf %add3A_376, %get3A_383 : vector<16xf32>
        %mul3A_385 = arith.constant 16 : i32
        %mul3A_386 = arith.muli %scan3A_24, %mul3A_385 : i32
        %get3A_387 = arith.constant 35 : i32
        %get3A_388 = arith.index_cast %get3A_387 : i32 to index
        %get3A_389 = arith.index_cast %mul3A_386 : i32 to index
        %get3A_390 = tpu.vector_load %arg7[%get3A_388, %get3A_389] {strides = array<i32>} : memref<48x2048xf32, #tpu.memory_space<vmem>>, vector<1x16xf32>,
        %get3A_391 = vector.shape_cast %get3A_390 : vector<1x16xf32> to vector<16xf32>
        %add3A_392 = arith.addf %add3A_384, %get3A_391 : vector<16xf32>
        %mul3A_393 = arith.constant 16 : i32
        %mul3A_394 = arith.muli %scan3A_24, %mul3A_393 : i32
        %swap3A_395 = arith.constant 5 : i32
        %swap3A_396 = arith.index_cast %swap3A_395 : i32 to index
        %swap3A_397 = arith.index_cast %mul3A_394 : i32 to index
        %swap3A_398 = tpu.vector_load %arg8[%swap3A_396, %swap3A_397] {strides = array<i32>} : memref<8x2048xf32, #tpu.memory_space<vmem>>, vector<1x16xf32>,
        %swap3A_399 = vector.shape_cast %swap3A_398 : vector<1x16xf32> to vector<16xf32>
        %swap3A_400 = vector.shape_cast %add3A_392 : vector<16xf32> to vector<1x16xf32>
        tpu.vector_store %arg8[%swap3A_396, %swap3A_397], %swap3A_400 {strides = array<i32>} : memref<8x2048xf32, #tpu.memory_space<vmem>>, vector<1x16xf32>,
        %mul3A_401 = arith.constant 16 : i32
        %mul3A_402 = arith.muli %scan3A_24, %mul3A_401 : i32
        %get3A_403 = arith.constant 6 : i32
        %get3A_404 = arith.index_cast %get3A_403 : i32 to index
        %get3A_405 = arith.index_cast %mul3A_402 : i32 to index
        %get3A_406 = tpu.vector_load %arg8[%get3A_404, %get3A_405] {strides = array<i32>} : memref<8x2048xf32, #tpu.memory_space<vmem>>, vector<1x16xf32>,
        %get3A_407 = vector.shape_cast %get3A_406 : vector<1x16xf32> to vector<16xf32>
        %mul3A_408 = arith.constant 16 : i32
        %mul3A_409 = arith.muli %scan3A_24, %mul3A_408 : i32
        %get3A_410 = arith.constant 36 : i32
        %get3A_411 = arith.index_cast %get3A_410 : i32 to index
        %get3A_412 = arith.index_cast %mul3A_409 : i32 to index
        %get3A_413 = tpu.vector_load %arg7[%get3A_411, %get3A_412] {strides = array<i32>} : memref<48x2048xf32, #tpu.memory_space<vmem>>, vector<1x16xf32>,
        %get3A_414 = vector.shape_cast %get3A_413 : vector<1x16xf32> to vector<16xf32>
        %add3A_415 = arith.addf %get3A_407, %get3A_414 : vector<16xf32>
        %mul3A_416 = arith.constant 16 : i32
        %mul3A_417 = arith.muli %scan3A_24, %mul3A_416 : i32
        %get3A_418 = arith.constant 37 : i32
        %get3A_419 = arith.index_cast %get3A_418 : i32 to index
        %get3A_420 = arith.index_cast %mul3A_417 : i32 to index
        %get3A_421 = tpu.vector_load %arg7[%get3A_419, %get3A_420] {strides = array<i32>} : memref<48x2048xf32, #tpu.memory_space<vmem>>, vector<1x16xf32>,
        %get3A_422 = vector.shape_cast %get3A_421 : vector<1x16xf32> to vector<16xf32>
        %add3A_423 = arith.addf %add3A_415, %get3A_422 : vector<16xf32>
        %mul3A_424 = arith.constant 16 : i32
        %mul3A_425 = arith.muli %scan3A_24, %mul3A_424 : i32
        %get3A_426 = arith.constant 38 : i32
        %get3A_427 = arith.index_cast %get3A_426 : i32 to index
        %get3A_428 = arith.index_cast %mul3A_425 : i32 to index
        %get3A_429 = tpu.vector_load %arg7[%get3A_427, %get3A_428] {strides = array<i32>} : memref<48x2048xf32, #tpu.memory_space<vmem>>, vector<1x16xf32>,
        %get3A_430 = vector.shape_cast %get3A_429 : vector<1x16xf32> to vector<16xf32>
        %add3A_431 = arith.addf %add3A_423, %get3A_430 : vector<16xf32>
        %mul3A_432 = arith.constant 16 : i32
        %mul3A_433 = arith.muli %scan3A_24, %mul3A_432 : i32
        %get3A_434 = arith.constant 39 : i32
        %get3A_435 = arith.index_cast %get3A_434 : i32 to index
        %get3A_436 = arith.index_cast %mul3A_433 : i32 to index
        %get3A_437 = tpu.vector_load %arg7[%get3A_435, %get3A_436] {strides = array<i32>} : memref<48x2048xf32, #tpu.memory_space<vmem>>, vector<1x16xf32>,
        %get3A_438 = vector.shape_cast %get3A_437 : vector<1x16xf32> to vector<16xf32>
        %add3A_439 = arith.addf %add3A_431, %get3A_438 : vector<16xf32>
        %mul3A_440 = arith.constant 16 : i32
        %mul3A_441 = arith.muli %scan3A_24, %mul3A_440 : i32
        %get3A_442 = arith.constant 40 : i32
        %get3A_443 = arith.index_cast %get3A_442 : i32 to index
        %get3A_444 = arith.index_cast %mul3A_441 : i32 to index
        %get3A_445 = tpu.vector_load %arg7[%get3A_443, %get3A_444] {strides = array<i32>} : memref<48x2048xf32, #tpu.memory_space<vmem>>, vector<1x16xf32>,
        %get3A_446 = vector.shape_cast %get3A_445 : vector<1x16xf32> to vector<16xf32>
        %add3A_447 = arith.addf %add3A_439, %get3A_446 : vector<16xf32>
        %mul3A_448 = arith.constant 16 : i32
        %mul3A_449 = arith.muli %scan3A_24, %mul3A_448 : i32
        %get3A_450 = arith.constant 41 : i32
        %get3A_451 = arith.index_cast %get3A_450 : i32 to index
        %get3A_452 = arith.index_cast %mul3A_449 : i32 to index
        %get3A_453 = tpu.vector_load %arg7[%get3A_451, %get3A_452] {strides = array<i32>} : memref<48x2048xf32, #tpu.memory_space<vmem>>, vector<1x16xf32>,
        %get3A_454 = vector.shape_cast %get3A_453 : vector<1x16xf32> to vector<16xf32>
        %add3A_455 = arith.addf %add3A_447, %get3A_454 : vector<16xf32>
        %mul3A_456 = arith.constant 16 : i32
        %mul3A_457 = arith.muli %scan3A_24, %mul3A_456 : i32
        %swap3A_458 = arith.constant 6 : i32
        %swap3A_459 = arith.index_cast %swap3A_458 : i32 to index
        %swap3A_460 = arith.index_cast %mul3A_457 : i32 to index
        %swap3A_461 = tpu.vector_load %arg8[%swap3A_459, %swap3A_460] {strides = array<i32>} : memref<8x2048xf32, #tpu.memory_space<vmem>>, vector<1x16xf32>,
        %swap3A_462 = vector.shape_cast %swap3A_461 : vector<1x16xf32> to vector<16xf32>
        %swap3A_463 = vector.shape_cast %add3A_455 : vector<16xf32> to vector<1x16xf32>
        tpu.vector_store %arg8[%swap3A_459, %swap3A_460], %swap3A_463 {strides = array<i32>} : memref<8x2048xf32, #tpu.memory_space<vmem>>, vector<1x16xf32>,
        %mul3A_464 = arith.constant 16 : i32
        %mul3A_465 = arith.muli %scan3A_24, %mul3A_464 : i32
        %get3A_466 = arith.constant 7 : i32
        %get3A_467 = arith.index_cast %get3A_466 : i32 to index
        %get3A_468 = arith.index_cast %mul3A_465 : i32 to index
        %get3A_469 = tpu.vector_load %arg8[%get3A_467, %get3A_468] {strides = array<i32>} : memref<8x2048xf32, #tpu.memory_space<vmem>>, vector<1x16xf32>,
        %get3A_470 = vector.shape_cast %get3A_469 : vector<1x16xf32> to vector<16xf32>
        %mul3A_471 = arith.constant 16 : i32
        %mul3A_472 = arith.muli %scan3A_24, %mul3A_471 : i32
        %get3A_473 = arith.constant 42 : i32
        %get3A_474 = arith.index_cast %get3A_473 : i32 to index
        %get3A_475 = arith.index_cast %mul3A_472 : i32 to index
        %get3A_476 = tpu.vector_load %arg7[%get3A_474, %get3A_475] {strides = array<i32>} : memref<48x2048xf32, #tpu.memory_space<vmem>>, vector<1x16xf32>,
        %get3A_477 = vector.shape_cast %get3A_476 : vector<1x16xf32> to vector<16xf32>
        %add3A_478 = arith.addf %get3A_470, %get3A_477 : vector<16xf32>
        %mul3A_479 = arith.constant 16 : i32
        %mul3A_480 = arith.muli %scan3A_24, %mul3A_479 : i32
        %get3A_481 = arith.constant 43 : i32
        %get3A_482 = arith.index_cast %get3A_481 : i32 to index
        %get3A_483 = arith.index_cast %mul3A_480 : i32 to index
        %get3A_484 = tpu.vector_load %arg7[%get3A_482, %get3A_483] {strides = array<i32>} : memref<48x2048xf32, #tpu.memory_space<vmem>>, vector<1x16xf32>,
        %get3A_485 = vector.shape_cast %get3A_484 : vector<1x16xf32> to vector<16xf32>
        %add3A_486 = arith.addf %add3A_478, %get3A_485 : vector<16xf32>
        %mul3A_487 = arith.constant 16 : i32
        %mul3A_488 = arith.muli %scan3A_24, %mul3A_487 : i32
        %get3A_489 = arith.constant 44 : i32
        %get3A_490 = arith.index_cast %get3A_489 : i32 to index
        %get3A_491 = arith.index_cast %mul3A_488 : i32 to index
        %get3A_492 = tpu.vector_load %arg7[%get3A_490, %get3A_491] {strides = array<i32>} : memref<48x2048xf32, #tpu.memory_space<vmem>>, vector<1x16xf32>,
        %get3A_493 = vector.shape_cast %get3A_492 : vector<1x16xf32> to vector<16xf32>
        %add3A_494 = arith.addf %add3A_486, %get3A_493 : vector<16xf32>
        %mul3A_495 = arith.constant 16 : i32
        %mul3A_496 = arith.muli %scan3A_24, %mul3A_495 : i32
        %get3A_497 = arith.constant 45 : i32
        %get3A_498 = arith.index_cast %get3A_497 : i32 to index
        %get3A_499 = arith.index_cast %mul3A_496 : i32 to index
        %get3A_500 = tpu.vector_load %arg7[%get3A_498, %get3A_499] {strides = array<i32>} : memref<48x2048xf32, #tpu.memory_space<vmem>>, vector<1x16xf32>,
        %get3A_501 = vector.shape_cast %get3A_500 : vector<1x16xf32> to vector<16xf32>
        %add3A_502 = arith.addf %add3A_494, %get3A_501 : vector<16xf32>
        %mul3A_503 = arith.constant 16 : i32
        %mul3A_504 = arith.muli %scan3A_24, %mul3A_503 : i32
        %get3A_505 = arith.constant 46 : i32
        %get3A_506 = arith.index_cast %get3A_505 : i32 to index
        %get3A_507 = arith.index_cast %mul3A_504 : i32 to index
        %get3A_508 = tpu.vector_load %arg7[%get3A_506, %get3A_507] {strides = array<i32>} : memref<48x2048xf32, #tpu.memory_space<vmem>>, vector<1x16xf32>,
        %get3A_509 = vector.shape_cast %get3A_508 : vector<1x16xf32> to vector<16xf32>
        %add3A_510 = arith.addf %add3A_502, %get3A_509 : vector<16xf32>
        %mul3A_511 = arith.constant 16 : i32
        %mul3A_512 = arith.muli %scan3A_24, %mul3A_511 : i32
        %get3A_513 = arith.constant 47 : i32
        %get3A_514 = arith.index_cast %get3A_513 : i32 to index
        %get3A_515 = arith.index_cast %mul3A_512 : i32 to index
        %get3A_516 = tpu.vector_load %arg7[%get3A_514, %get3A_515] {strides = array<i32>} : memref<48x2048xf32, #tpu.memory_space<vmem>>, vector<1x16xf32>,
        %get3A_517 = vector.shape_cast %get3A_516 : vector<1x16xf32> to vector<16xf32>
        %add3A_518 = arith.addf %add3A_510, %get3A_517 : vector<16xf32>
        %mul3A_519 = arith.constant 16 : i32
        %mul3A_520 = arith.muli %scan3A_24, %mul3A_519 : i32
        %swap3A_521 = arith.constant 7 : i32
        %swap3A_522 = arith.index_cast %swap3A_521 : i32 to index
        %swap3A_523 = arith.index_cast %mul3A_520 : i32 to index
        %swap3A_524 = tpu.vector_load %arg8[%swap3A_522, %swap3A_523] {strides = array<i32>} : memref<8x2048xf32, #tpu.memory_space<vmem>>, vector<1x16xf32>,
        %swap3A_525 = vector.shape_cast %swap3A_524 : vector<1x16xf32> to vector<16xf32>
        %swap3A_526 = vector.shape_cast %add3A_518 : vector<16xf32> to vector<1x16xf32>
        tpu.vector_store %arg8[%swap3A_522, %swap3A_523], %swap3A_526 {strides = array<i32>} : memref<8x2048xf32, #tpu.memory_space<vmem>>, vector<1x16xf32>,
      }
      %scan3A_23 = arith.constant 128 : i32
      "tpu.region"() ({
        %run_scoped3A = tpu.sem_alloc : memref<!tpu.dma_semaphore, #tpu.memory_space<semaphore_mem>>
        %dma_start3A_24 = arith.constant 0 : i32
        %dma_start3A_25 = tpu.memref_slice %arg5[%add3A_11, %dma_start3A_24] : memref<2048x2048xf32, #tpu.memory_space<hbm>> -> memref<8x2048xf32, #tpu.memory_space<hbm>>
        %dma_start3A_26 = arith.constant 0 : i32
        %dma_start3A_27 = tpu.memref_slice %arg5[%add3A_11, %dma_start3A_26] : memref<2048x2048xf32, #tpu.memory_space<hbm>> -> memref<8x2048xf32, #tpu.memory_space<hbm>>
        tpu.enqueue_dma source(%arg8 : memref<8x2048xf32, #tpu.memory_space<vmem>>) target(%dma_start3A_27 : memref<8x2048xf32, #tpu.memory_space<hbm>>) target_semaphore(%run_scoped3A : memref<!tpu.dma_semaphore, #tpu.memory_space<semaphore_mem>>)
        %dma_wait3A_28 = arith.constant 0 : i32
        %dma_wait3A_29 = tpu.memref_slice %arg5[%add3A_11, %dma_wait3A_28] : memref<2048x2048xf32, #tpu.memory_space<hbm>> -> memref<8x2048xf32, #tpu.memory_space<hbm>>
        %dma_wait3A_30 = arith.constant 0 : i32
        %dma_wait3A_31 = tpu.memref_slice %arg5[%add3A_11, %dma_wait3A_30] : memref<2048x2048xf32, #tpu.memory_space<hbm>> -> memref<8x2048xf32, #tpu.memory_space<hbm>>
        tpu.wait_dma2 semaphore(%run_scoped3A : memref<!tpu.dma_semaphore, #tpu.memory_space<semaphore_mem>>) src(%arg8 : memref<8x2048xf32, #tpu.memory_space<vmem>>) dst(%dma_wait3A_31 : memref<8x2048xf32, #tpu.memory_space<hbm>>)
        tpu.yield
      }) : () -> ()
    }
    %scan3A_7 = arith.constant 8 : i32
    return
  }
}

#map = affine_map<(d0, d1) -> (0)>
#map1 = affine_map<(d0, d1) -> (0, 0)>
module attributes {stable_mosaic.version = 14 : i64} {
  func.func @_sc_gather_body(%arg0: i32, %arg1: i32, %arg2: memref<28672xi32, #tpu.memory_space<hbm>>, %arg3: memref<2048x2048xf32, #tpu.memory_space<hbm>>, %arg4: memref<28672x2048xf32, #tpu.memory_space<hbm>>, %arg5: memref<32xi32, #tpu.memory_space<vmem>>, %arg6: memref<32x2048xf32, #tpu.memory_space<vmem>>, %arg7: memref<!tpu.dma_semaphore, #tpu.memory_space<semaphore_mem>>) attributes {dimension_semantics = [#tpu.dimension_semantics<core_parallel>, #tpu.dimension_semantics<subcore_parallel>], iteration_bounds = array<i64: 2, 16>, scalar_prefetch = 0 : i64, scratch_operands = 3 : i64, tpu.core_type = #tpu.core_type<sc_vector_subcore>, window_params = [{transform_indices = #map}, {transform_indices = #map1}, {transform_indices = #map1}]} {
    %mul3A = arith.constant 2 : i32
    %mul3A_0 = arith.muli %arg1, %mul3A : i32
    %add3A = arith.addi %mul3A_0, %arg0 : i32
    %mul3A_1 = arith.constant 896 : i32
    %mul3A_2 = arith.muli %add3A, %mul3A_1 : i32
    %scan3A = arith.constant 0 : i32
    %scan3A_3 = arith.constant 0 : i32
    %scan3A_4 = arith.constant 28 : i32
    %scan3A_5 = arith.addi %scan3A_3, %scan3A_4 : i32
    %scan3A_6 = arith.constant 1 : i32
    scf.for %scan3A_8 = %scan3A_3 to %scan3A_5 step %scan3A_6  : i32 {
      %mul3A_9 = arith.constant 32 : i32
      %mul3A_10 = arith.muli %scan3A_8, %mul3A_9 : i32
      %add3A_11 = arith.addi %mul3A_2, %mul3A_10 : i32
      "tpu.region"() ({
        %run_scoped3A = tpu.sem_alloc : memref<!tpu.dma_semaphore, #tpu.memory_space<semaphore_mem>>
        %dma_start3A_16 = tpu.memref_slice %arg2[%add3A_11] : memref<28672xi32, #tpu.memory_space<hbm>> -> memref<32xi32, #tpu.memory_space<hbm>>
        %dma_start3A_17 = tpu.memref_slice %arg2[%add3A_11] : memref<28672xi32, #tpu.memory_space<hbm>> -> memref<32xi32, #tpu.memory_space<hbm>>
        tpu.enqueue_dma source(%dma_start3A_17 : memref<32xi32, #tpu.memory_space<hbm>>) target(%arg5 : memref<32xi32, #tpu.memory_space<vmem>>) target_semaphore(%run_scoped3A : memref<!tpu.dma_semaphore, #tpu.memory_space<semaphore_mem>>)
        %dma_wait3A_18 = tpu.memref_slice %arg2[%add3A_11] : memref<28672xi32, #tpu.memory_space<hbm>> -> memref<32xi32, #tpu.memory_space<hbm>>
        %dma_wait3A_19 = tpu.memref_slice %arg2[%add3A_11] : memref<28672xi32, #tpu.memory_space<hbm>> -> memref<32xi32, #tpu.memory_space<hbm>>
        tpu.wait_dma2 semaphore(%run_scoped3A : memref<!tpu.dma_semaphore, #tpu.memory_space<semaphore_mem>>) src(%dma_wait3A_19 : memref<32xi32, #tpu.memory_space<hbm>>) dst(%arg5 : memref<32xi32, #tpu.memory_space<vmem>>)
        tpu.yield
      }) : () -> ()
      %dma_start3A = arith.constant 0 : i32
      %dma_start3A_12 = arith.constant 0 : i32
      %dma_start3A_13 = tpu.memref_slice %arg3[%dma_start3A, %dma_start3A_12] : memref<2048x2048xf32, #tpu.memory_space<hbm>> -> memref<2048x2048xf32, #tpu.memory_space<hbm>>
      tpu.enqueue_indirect_dma source(%dma_start3A_13 : memref<2048x2048xf32, #tpu.memory_space<hbm>>) target(%arg6 : memref<32x2048xf32, #tpu.memory_space<vmem>>) offsets(%arg5 : memref<32xi32, #tpu.memory_space<vmem>>) semaphore(%arg7 : memref<!tpu.dma_semaphore, #tpu.memory_space<semaphore_mem>>)
      %dma_wait3A = arith.constant 0 : i32
      %dma_wait3A_14 = arith.constant 0 : i32
      %dma_wait3A_15 = tpu.memref_slice %arg3[%dma_wait3A, %dma_wait3A_14] : memref<2048x2048xf32, #tpu.memory_space<hbm>> -> memref<2048x2048xf32, #tpu.memory_space<hbm>>
      tpu.wait_indirect_dma semaphore(%arg7 : memref<!tpu.dma_semaphore, #tpu.memory_space<semaphore_mem>>) src(%dma_wait3A_15 : memref<2048x2048xf32, #tpu.memory_space<hbm>>) dst(%arg6 : memref<32x2048xf32, #tpu.memory_space<vmem>>)
      "tpu.region"() ({
        %run_scoped3A = tpu.sem_alloc : memref<!tpu.dma_semaphore, #tpu.memory_space<semaphore_mem>>
        %dma_start3A_16 = arith.constant 0 : i32
        %dma_start3A_17 = tpu.memref_slice %arg4[%add3A_11, %dma_start3A_16] : memref<28672x2048xf32, #tpu.memory_space<hbm>> -> memref<32x2048xf32, #tpu.memory_space<hbm>>
        %dma_start3A_18 = arith.constant 0 : i32
        %dma_start3A_19 = tpu.memref_slice %arg4[%add3A_11, %dma_start3A_18] : memref<28672x2048xf32, #tpu.memory_space<hbm>> -> memref<32x2048xf32, #tpu.memory_space<hbm>>
        tpu.enqueue_dma source(%arg6 : memref<32x2048xf32, #tpu.memory_space<vmem>>) target(%dma_start3A_19 : memref<32x2048xf32, #tpu.memory_space<hbm>>) target_semaphore(%run_scoped3A : memref<!tpu.dma_semaphore, #tpu.memory_space<semaphore_mem>>)
        %dma_wait3A_20 = arith.constant 0 : i32
        %dma_wait3A_21 = tpu.memref_slice %arg4[%add3A_11, %dma_wait3A_20] : memref<28672x2048xf32, #tpu.memory_space<hbm>> -> memref<32x2048xf32, #tpu.memory_space<hbm>>
        %dma_wait3A_22 = arith.constant 0 : i32
        %dma_wait3A_23 = tpu.memref_slice %arg4[%add3A_11, %dma_wait3A_22] : memref<28672x2048xf32, #tpu.memory_space<hbm>> -> memref<32x2048xf32, #tpu.memory_space<hbm>>
        tpu.wait_dma2 semaphore(%run_scoped3A : memref<!tpu.dma_semaphore, #tpu.memory_space<semaphore_mem>>) src(%arg6 : memref<32x2048xf32, #tpu.memory_space<vmem>>) dst(%dma_wait3A_23 : memref<32x2048xf32, #tpu.memory_space<hbm>>)
        tpu.yield
      }) : () -> ()
    }
    %scan3A_7 = arith.constant 28 : i32
    return
  }
}

module attributes {stable_mosaic.version = 14 : i64} {
  func.func @_shared_kernel(%arg0: i32, %arg1: i32, %arg2: memref<256x2048xf32, #tpu.memory_space<vmem>>, %arg3: memref<256x2048xf32, #tpu.memory_space<vmem>>, %arg4: memref<256x2048xf32, #tpu.memory_space<vmem>>, %arg5: memref<2048x256xf32, #tpu.memory_space<vmem>>, %arg6: memref<256x2048xf32, #tpu.memory_space<vmem>>, %arg7: memref<256x2048xf32, #tpu.memory_space<vmem>>) attributes {dimension_semantics = [#tpu.dimension_semantics<arbitrary>, #tpu.dimension_semantics<arbitrary>], iteration_bounds = array<i64: 8, 11>, scalar_prefetch = 0 : i64, scratch_operands = 1 : i64, tpu.core_type = #tpu.core_type<tc>, window_params = [{transform_indices = @transform_0, window_bounds = array<i64: 256, 2048>}, {transform_indices = @transform_1, window_bounds = array<i64: 256, 2048>}, {transform_indices = @transform_2, window_bounds = array<i64: 256, 2048>}, {transform_indices = @transform_3, window_bounds = array<i64: 2048, 256>}, {transform_indices = @transform_4, window_bounds = array<i64: 256, 2048>}]} {
    %eq3A = arith.constant 0 : i32
    %eq3A_0 = arith.cmpi eq, %arg1, %eq3A : i32
    %convert_element_type3A = arith.extui %eq3A_0 : i1 to i32
    %cond3A = arith.constant 0 : i32
    %cond3A_1 = arith.cmpi ne, %convert_element_type3A, %cond3A : i32
    scf.if %cond3A_1 {
      %broadcast_in_dim3A = arith.constant 0.000000e+00 : f32
      %broadcast_in_dim3A_34 = vector.broadcast %broadcast_in_dim3A : f32 to vector<256x2048xf32>
      %swap3A_35 = arith.constant 0 : index
      %swap3A_36 = arith.constant 0 : index
      %swap3A_37 = vector.load %arg7[%swap3A_35, %swap3A_36] : memref<256x2048xf32, #tpu.memory_space<vmem>>, vector<256x2048xf32>
      tpu.vector_store %arg7[%swap3A_35, %swap3A_36], %broadcast_in_dim3A_34 {strides = array<i32>} : memref<256x2048xf32, #tpu.memory_space<vmem>>, vector<256x2048xf32>,
    } else {
    }
    %get3A = arith.constant 0 : index
    %get3A_2 = arith.constant 0 : index
    %get3A_3 = vector.load %arg2[%get3A, %get3A_2] : memref<256x2048xf32, #tpu.memory_space<vmem>>, vector<256x2048xf32>
    %get3A_4 = arith.constant 0 : index
    %get3A_5 = arith.constant 0 : index
    %get3A_6 = vector.load %arg3[%get3A_4, %get3A_5] : memref<256x2048xf32, #tpu.memory_space<vmem>>, vector<256x2048xf32>
    %dot_general3A = arith.constant dense<0.000000e+00> : vector<256x256xf32>
    %dot_general3A_7 = tpu.matmul %get3A_3, %get3A_6, %dot_general3A {dimension_numbers = #tpu.dot_dimension_numbers<[1], [1], [0], [0], [0, 0, 1, 0], [], []>, transpose_lhs_hint = false} : vector<256x2048xf32>, vector<256x2048xf32>, vector<256x256xf32> -> vector<256x256xf32>
    %get3A_8 = arith.constant 0 : index
    %get3A_9 = arith.constant 0 : index
    %get3A_10 = vector.load %arg4[%get3A_8, %get3A_9] : memref<256x2048xf32, #tpu.memory_space<vmem>>, vector<256x2048xf32>
    %dot_general3A_11 = arith.constant dense<0.000000e+00> : vector<256x256xf32>
    %dot_general3A_12 = tpu.matmul %get3A_3, %get3A_10, %dot_general3A_11 {dimension_numbers = #tpu.dot_dimension_numbers<[1], [1], [0], [0], [0, 0, 1, 0], [], []>, transpose_lhs_hint = false} : vector<256x2048xf32>, vector<256x2048xf32>, vector<256x256xf32> -> vector<256x256xf32>
    %logistic3A = arith.negf %dot_general3A_7 : vector<256x256xf32>
    %logistic3A_13 = math.exp %logistic3A : vector<256x256xf32>
    %logistic3A_14 = arith.constant 1.000000e+00 : f32
    %logistic3A_15 = vector.broadcast %logistic3A_14 : f32 to vector<256x256xf32>
    %logistic3A_16 = arith.addf %logistic3A_15, %logistic3A_13 : vector<256x256xf32>
    %logistic3A_17 = arith.divf %logistic3A_15, %logistic3A_16 : vector<256x256xf32>
    %mul3A = arith.mulf %dot_general3A_7, %logistic3A_17 : vector<256x256xf32>
    %mul3A_18 = arith.mulf %mul3A, %dot_general3A_12 : vector<256x256xf32>
    %get3A_19 = arith.constant 0 : index
    %get3A_20 = arith.constant 0 : index
    %get3A_21 = vector.load %arg7[%get3A_19, %get3A_20] : memref<256x2048xf32, #tpu.memory_space<vmem>>, vector<256x2048xf32>
    %get3A_22 = arith.constant 0 : index
    %get3A_23 = arith.constant 0 : index
    %get3A_24 = vector.load %arg5[%get3A_22, %get3A_23] : memref<2048x256xf32, #tpu.memory_space<vmem>>, vector<2048x256xf32>
    %dot_general3A_25 = arith.constant dense<0.000000e+00> : vector<256x2048xf32>
    %dot_general3A_26 = tpu.matmul %mul3A_18, %get3A_24, %dot_general3A_25 {dimension_numbers = #tpu.dot_dimension_numbers<[1], [1], [0], [0], [0, 0, 1, 0], [], []>, transpose_lhs_hint = false} : vector<256x256xf32>, vector<2048x256xf32>, vector<256x2048xf32> -> vector<256x2048xf32>
    %add3A = arith.addf %get3A_21, %dot_general3A_26 : vector<256x2048xf32>
    %swap3A = arith.constant 0 : index
    %swap3A_27 = arith.constant 0 : index
    %swap3A_28 = vector.load %arg7[%swap3A, %swap3A_27] : memref<256x2048xf32, #tpu.memory_space<vmem>>, vector<256x2048xf32>
    tpu.vector_store %arg7[%swap3A, %swap3A_27], %add3A {strides = array<i32>} : memref<256x2048xf32, #tpu.memory_space<vmem>>, vector<256x2048xf32>,
    %eq3A_29 = arith.constant 10 : i32
    %eq3A_30 = arith.cmpi eq, %arg1, %eq3A_29 : i32
    %convert_element_type3A_31 = arith.extui %eq3A_30 : i1 to i32
    %cond3A_32 = arith.constant 0 : i32
    %cond3A_33 = arith.cmpi ne, %convert_element_type3A_31, %cond3A_32 : i32
    scf.if %cond3A_33 {
      %get3A_34 = arith.constant 0 : index
      %get3A_35 = arith.constant 0 : index
      %get3A_36 = vector.load %arg7[%get3A_34, %get3A_35] : memref<256x2048xf32, #tpu.memory_space<vmem>>, vector<256x2048xf32>
      %swap3A_37 = arith.constant 0 : index
      %swap3A_38 = arith.constant 0 : index
      %swap3A_39 = vector.load %arg6[%swap3A_37, %swap3A_38] : memref<256x2048xf32, #tpu.memory_space<vmem>>, vector<256x2048xf32>
      tpu.vector_store %arg6[%swap3A_37, %swap3A_38], %get3A_36 {strides = array<i32>} : memref<256x2048xf32, #tpu.memory_space<vmem>>, vector<256x2048xf32>,
    } else {
    }
    return
  }
  func.func @transform_0(%arg0: i32, %arg1: i32) -> (i32, i32) {
    %c0_i32 = arith.constant 0 : i32
    %c0_i32_0 = arith.constant 0 : i32
    return %arg0, %c0_i32 : i32, i32
  }
  func.func @transform_1(%arg0: i32, %arg1: i32) -> (i32, i32) {
    %c0_i32 = arith.constant 0 : i32
    %c0_i32_0 = arith.constant 0 : i32
    return %arg1, %c0_i32 : i32, i32
  }
  func.func @transform_2(%arg0: i32, %arg1: i32) -> (i32, i32) {
    %c0_i32 = arith.constant 0 : i32
    %c0_i32_0 = arith.constant 0 : i32
    return %arg1, %c0_i32 : i32, i32
  }
  func.func @transform_3(%arg0: i32, %arg1: i32) -> (i32, i32) {
    %c0_i32 = arith.constant 0 : i32
    %c0_i32_0 = arith.constant 0 : i32
    return %c0_i32, %arg1 : i32, i32
  }
  func.func @transform_4(%arg0: i32, %arg1: i32) -> (i32, i32) {
    %c0_i32 = arith.constant 0 : i32
    %c0_i32_0 = arith.constant 0 : i32
    return %arg0, %c0_i32 : i32, i32
  }
}

module attributes {stable_mosaic.version = 14 : i64} {
  func.func @_gmm_kernel(%arg0: i32, %arg1: i32, %arg2: memref<112xi32, #tpu.memory_space<smem>>, %arg3: memref<112xi32, #tpu.memory_space<smem>>, %arg4: memref<256x2048xf32, #tpu.memory_space<vmem>>, %arg5: memref<1x1x256xf32, #tpu.memory_space<vmem>>, %arg6: memref<1x128x2048xf32, #tpu.memory_space<vmem>>, %arg7: memref<1x128x2048xf32, #tpu.memory_space<vmem>>, %arg8: memref<1x2048x128xf32, #tpu.memory_space<vmem>>, %arg9: memref<256x2048xf32, #tpu.memory_space<vmem>>, %arg10: memref<256x2048xf32, #tpu.memory_space<vmem>>) attributes {dimension_semantics = [#tpu.dimension_semantics<arbitrary>, #tpu.dimension_semantics<arbitrary>], iteration_bounds = array<i64: 112, 11>, scalar_prefetch = 2 : i64, scratch_operands = 1 : i64, tpu.core_type = #tpu.core_type<tc>, window_params = [{transform_indices = @transform_0, window_bounds = array<i64: 256, 2048>}, {transform_indices = @transform_1, window_bounds = array<i64: 1, 1, 256>}, {transform_indices = @transform_2, window_bounds = array<i64: 1, 128, 2048>}, {transform_indices = @transform_3, window_bounds = array<i64: 1, 128, 2048>}, {transform_indices = @transform_4, window_bounds = array<i64: 1, 2048, 128>}, {transform_indices = @transform_5, window_bounds = array<i64: 256, 2048>}]} {
    %eq3A = arith.constant 0 : i32
    %eq3A_0 = arith.cmpi eq, %arg1, %eq3A : i32
    %convert_element_type3A = arith.extui %eq3A_0 : i1 to i32
    %cond3A = arith.constant 0 : i32
    %cond3A_1 = arith.cmpi ne, %convert_element_type3A, %cond3A : i32
    scf.if %cond3A_1 {
      %broadcast_in_dim3A = arith.constant 0.000000e+00 : f32
      %broadcast_in_dim3A_12 = vector.broadcast %broadcast_in_dim3A : f32 to vector<256x2048xf32>
      %swap3A = arith.constant 0 : index
      %swap3A_13 = arith.constant 0 : index
      %swap3A_14 = vector.load %arg10[%swap3A, %swap3A_13] : memref<256x2048xf32, #tpu.memory_space<vmem>>, vector<256x2048xf32>
      tpu.vector_store %arg10[%swap3A, %swap3A_13], %broadcast_in_dim3A_12 {strides = array<i32>} : memref<256x2048xf32, #tpu.memory_space<vmem>>, vector<256x2048xf32>,
    } else {
    }
    %get3A = arith.index_cast %arg0 : i32 to index
    %get3A_2 = memref.load %arg3[%get3A] : memref<112xi32, #tpu.memory_space<smem>>
    %gt3A = arith.constant 0 : i32
    %gt3A_3 = arith.cmpi sgt, %get3A_2, %gt3A : i32
    %convert_element_type3A_4 = arith.extui %gt3A_3 : i1 to i32
    %cond3A_5 = arith.constant 0 : i32
    %cond3A_6 = arith.cmpi ne, %convert_element_type3A_4, %cond3A_5 : i32
    scf.if %cond3A_6 {
      %get3A_12 = arith.constant 0 : index
      %get3A_13 = arith.constant 0 : index
      %get3A_14 = vector.load %arg4[%get3A_12, %get3A_13] : memref<256x2048xf32, #tpu.memory_space<vmem>>, vector<256x2048xf32>
      %get3A_15 = arith.constant 0 : index
      %get3A_16 = arith.constant 0 : index
      %get3A_17 = arith.constant 0 : index
      %get3A_18 = vector.load %arg6[%get3A_15, %get3A_16, %get3A_17] : memref<1x128x2048xf32, #tpu.memory_space<vmem>>, vector<1x128x2048xf32>
      %get3A_19 = vector.shape_cast %get3A_18 : vector<1x128x2048xf32> to vector<128x2048xf32>
      %get3A_20 = arith.constant 0 : index
      %get3A_21 = arith.constant 0 : index
      %get3A_22 = arith.constant 0 : index
      %get3A_23 = vector.load %arg7[%get3A_20, %get3A_21, %get3A_22] : memref<1x128x2048xf32, #tpu.memory_space<vmem>>, vector<1x128x2048xf32>
      %get3A_24 = vector.shape_cast %get3A_23 : vector<1x128x2048xf32> to vector<128x2048xf32>
      %get3A_25 = arith.constant 0 : index
      %get3A_26 = arith.constant 0 : index
      %get3A_27 = arith.constant 0 : index
      %get3A_28 = vector.load %arg8[%get3A_25, %get3A_26, %get3A_27] : memref<1x2048x128xf32, #tpu.memory_space<vmem>>, vector<1x2048x128xf32>
      %get3A_29 = vector.shape_cast %get3A_28 : vector<1x2048x128xf32> to vector<2048x128xf32>
      %dot_general3A = arith.constant dense<0.000000e+00> : vector<256x128xf32>
      %dot_general3A_30 = tpu.matmul %get3A_14, %get3A_19, %dot_general3A {dimension_numbers = #tpu.dot_dimension_numbers<[1], [1], [0], [0], [0, 0, 1, 0], [], []>, transpose_lhs_hint = false} : vector<256x2048xf32>, vector<128x2048xf32>, vector<256x128xf32> -> vector<256x128xf32>
      %dot_general3A_31 = arith.constant dense<0.000000e+00> : vector<256x128xf32>
      %dot_general3A_32 = tpu.matmul %get3A_14, %get3A_24, %dot_general3A_31 {dimension_numbers = #tpu.dot_dimension_numbers<[1], [1], [0], [0], [0, 0, 1, 0], [], []>, transpose_lhs_hint = false} : vector<256x2048xf32>, vector<128x2048xf32>, vector<256x128xf32> -> vector<256x128xf32>
      %logistic3A = arith.negf %dot_general3A_30 : vector<256x128xf32>
      %logistic3A_33 = math.exp %logistic3A : vector<256x128xf32>
      %logistic3A_34 = arith.constant 1.000000e+00 : f32
      %logistic3A_35 = vector.broadcast %logistic3A_34 : f32 to vector<256x128xf32>
      %logistic3A_36 = arith.addf %logistic3A_35, %logistic3A_33 : vector<256x128xf32>
      %logistic3A_37 = arith.divf %logistic3A_35, %logistic3A_36 : vector<256x128xf32>
      %mul3A = arith.mulf %dot_general3A_30, %logistic3A_37 : vector<256x128xf32>
      %mul3A_38 = arith.mulf %mul3A, %dot_general3A_32 : vector<256x128xf32>
      %get3A_39 = arith.constant 0 : index
      %get3A_40 = arith.constant 0 : index
      %get3A_41 = vector.load %arg10[%get3A_39, %get3A_40] : memref<256x2048xf32, #tpu.memory_space<vmem>>, vector<256x2048xf32>
      %dot_general3A_42 = arith.constant dense<0.000000e+00> : vector<256x2048xf32>
      %dot_general3A_43 = tpu.matmul %mul3A_38, %get3A_29, %dot_general3A_42 {dimension_numbers = #tpu.dot_dimension_numbers<[1], [1], [0], [0], [0, 0, 1, 0], [], []>, transpose_lhs_hint = false} : vector<256x128xf32>, vector<2048x128xf32>, vector<256x2048xf32> -> vector<256x2048xf32>
      %add3A = arith.addf %get3A_41, %dot_general3A_43 : vector<256x2048xf32>
      %swap3A = arith.constant 0 : index
      %swap3A_44 = arith.constant 0 : index
      %swap3A_45 = vector.load %arg10[%swap3A, %swap3A_44] : memref<256x2048xf32, #tpu.memory_space<vmem>>, vector<256x2048xf32>
      tpu.vector_store %arg10[%swap3A, %swap3A_44], %add3A {strides = array<i32>} : memref<256x2048xf32, #tpu.memory_space<vmem>>, vector<256x2048xf32>,
    } else {
    }
    %eq3A_7 = arith.constant 10 : i32
    %eq3A_8 = arith.cmpi eq, %arg1, %eq3A_7 : i32
    %convert_element_type3A_9 = arith.extui %eq3A_8 : i1 to i32
    %cond3A_10 = arith.constant 0 : i32
    %cond3A_11 = arith.cmpi ne, %convert_element_type3A_9, %cond3A_10 : i32
    scf.if %cond3A_11 {
      %get3A_12 = arith.constant 0 : index
      %get3A_13 = arith.constant 0 : index
      %get3A_14 = vector.load %arg10[%get3A_12, %get3A_13] : memref<256x2048xf32, #tpu.memory_space<vmem>>, vector<256x2048xf32>
      %get3A_15 = arith.constant 0 : index
      %get3A_16 = arith.constant 0 : index
      %get3A_17 = arith.constant 0 : index
      %get3A_18 = vector.load %arg5[%get3A_15, %get3A_16, %get3A_17] : memref<1x1x256xf32, #tpu.memory_space<vmem>>, vector<1x1x256xf32>
      %get3A_19 = vector.shape_cast %get3A_18 : vector<1x1x256xf32> to vector<256xf32>
      %broadcast_in_dim3A = vector.shape_cast %get3A_19 : vector<256xf32> to vector<256x1xf32>
      %mul3A = vector.broadcast %broadcast_in_dim3A : vector<256x1xf32> to vector<256x2048xf32>
      %mul3A_20 = arith.mulf %get3A_14, %mul3A : vector<256x2048xf32>
      %swap3A = arith.constant 0 : index
      %swap3A_21 = arith.constant 0 : index
      %swap3A_22 = vector.load %arg9[%swap3A, %swap3A_21] : memref<256x2048xf32, #tpu.memory_space<vmem>>, vector<256x2048xf32>
      tpu.vector_store %arg9[%swap3A, %swap3A_21], %mul3A_20 {strides = array<i32>} : memref<256x2048xf32, #tpu.memory_space<vmem>>, vector<256x2048xf32>,
    } else {
    }
    return
  }
  func.func @transform_0(%arg0: i32, %arg1: i32, %arg2: memref<112xi32, #tpu.memory_space<smem>>, %arg3: memref<112xi32, #tpu.memory_space<smem>>) -> (i32, i32) {
    %get3A = arith.index_cast %arg0 : i32 to index
    %get3A_0 = memref.load %arg3[%get3A] : memref<112xi32, #tpu.memory_space<smem>>
    %gt3A = arith.constant 0 : i32
    %gt3A_1 = arith.cmpi sgt, %get3A_0, %gt3A : i32
    %jit3A = arith.constant 0 : i32
    %select_n3A = arith.select %gt3A_1, %arg0, %jit3A : i32
    %c0_i32 = arith.constant 0 : i32
    %c0_i32_2 = arith.constant 0 : i32
    return %select_n3A, %c0_i32 : i32, i32
  }
  func.func @transform_1(%arg0: i32, %arg1: i32, %arg2: memref<112xi32, #tpu.memory_space<smem>>, %arg3: memref<112xi32, #tpu.memory_space<smem>>) -> (i32, i32, i32) {
    %c0_i32 = arith.constant 0 : i32
    %c0_i32_0 = arith.constant 0 : i32
    %c0_i32_1 = arith.constant 0 : i32
    return %arg0, %c0_i32, %c0_i32_0 : i32, i32, i32
  }
  func.func @transform_2(%arg0: i32, %arg1: i32, %arg2: memref<112xi32, #tpu.memory_space<smem>>, %arg3: memref<112xi32, #tpu.memory_space<smem>>) -> (i32, i32, i32) {
    %get3A = arith.index_cast %arg0 : i32 to index
    %get3A_0 = memref.load %arg2[%get3A] : memref<112xi32, #tpu.memory_space<smem>>
    %get3A_1 = arith.index_cast %arg0 : i32 to index
    %get3A_2 = memref.load %arg3[%get3A_1] : memref<112xi32, #tpu.memory_space<smem>>
    %gt3A = arith.constant 0 : i32
    %gt3A_3 = arith.cmpi sgt, %get3A_2, %gt3A : i32
    %jit3A = arith.constant 0 : i32
    %select_n3A = arith.select %gt3A_3, %arg1, %jit3A : i32
    %c0_i32 = arith.constant 0 : i32
    %c0_i32_4 = arith.constant 0 : i32
    return %get3A_0, %select_n3A, %c0_i32 : i32, i32, i32
  }
  func.func @transform_3(%arg0: i32, %arg1: i32, %arg2: memref<112xi32, #tpu.memory_space<smem>>, %arg3: memref<112xi32, #tpu.memory_space<smem>>) -> (i32, i32, i32) {
    %get3A = arith.index_cast %arg0 : i32 to index
    %get3A_0 = memref.load %arg2[%get3A] : memref<112xi32, #tpu.memory_space<smem>>
    %get3A_1 = arith.index_cast %arg0 : i32 to index
    %get3A_2 = memref.load %arg3[%get3A_1] : memref<112xi32, #tpu.memory_space<smem>>
    %gt3A = arith.constant 0 : i32
    %gt3A_3 = arith.cmpi sgt, %get3A_2, %gt3A : i32
    %jit3A = arith.constant 0 : i32
    %select_n3A = arith.select %gt3A_3, %arg1, %jit3A : i32
    %c0_i32 = arith.constant 0 : i32
    %c0_i32_4 = arith.constant 0 : i32
    return %get3A_0, %select_n3A, %c0_i32 : i32, i32, i32
  }
  func.func @transform_4(%arg0: i32, %arg1: i32, %arg2: memref<112xi32, #tpu.memory_space<smem>>, %arg3: memref<112xi32, #tpu.memory_space<smem>>) -> (i32, i32, i32) {
    %get3A = arith.index_cast %arg0 : i32 to index
    %get3A_0 = memref.load %arg2[%get3A] : memref<112xi32, #tpu.memory_space<smem>>
    %get3A_1 = arith.index_cast %arg0 : i32 to index
    %get3A_2 = memref.load %arg3[%get3A_1] : memref<112xi32, #tpu.memory_space<smem>>
    %gt3A = arith.constant 0 : i32
    %gt3A_3 = arith.cmpi sgt, %get3A_2, %gt3A : i32
    %jit3A = arith.constant 0 : i32
    %select_n3A = arith.select %gt3A_3, %arg1, %jit3A : i32
    %c0_i32 = arith.constant 0 : i32
    %c0_i32_4 = arith.constant 0 : i32
    return %get3A_0, %c0_i32, %select_n3A : i32, i32, i32
  }
  func.func @transform_5(%arg0: i32, %arg1: i32, %arg2: memref<112xi32, #tpu.memory_space<smem>>, %arg3: memref<112xi32, #tpu.memory_space<smem>>) -> (i32, i32) {
    %c0_i32 = arith.constant 0 : i32
    %c0_i32_0 = arith.constant 0 : i32
    return %arg0, %c0_i32 : i32, i32
  }
}

</mosaic_0001>

<sc_bundles>
// kernel: gather_offload_async_start.1
scs
__scs_entry_jumppad:
0x0: {  	(pc) =	sbr.rel $0x88, $3  }
0x1: {  	(tag) =	ssettag $0x0;
	lr =	simm.s32 $0x1  }
0x2: {  	[smem:$0x3F98] =	sst lr;
	_ =	strace $0xD0000000  }
0x3: {  	_ = 	snop  }
0x4: {  	_ = 	snop  }
0x5: {  	_ = 	snop  }
0x6: {  	_ = 	snop  }
0x7: {  	_ = 	snop  }
__scs_overlays_trampoline_lowered:
0x8: {  	[smem:$0x3FA7] =	sst s0  }
0x9: {  	[smem:$0x3FA8] =	sst s1  }
0xa: {  	[smem:$0x3FA9] =	sst s2  }
0xb: {  	[smem:$0x3FAA] =	sst s3  }
0xc: {  	[smem:$0x3FAB] =	sst s4  }
0xd: {  	[smem:$0x3FAC] =	sst s5  }
0xe: {  	[smem:$0x3FAD] =	sst s6  }
0xf: {  	[smem:$0x3FAE] =	sst s7  }
0x10: {  	[smem:$0x3FAF] =	sst s8  }
0x11: {  	[smem:$0x3FB0] =	sst s9;
	s0 =	simm.s32 @!p0 $0x0  }
0x12: {  	s1 =	sld [smem:$0x3F96];
	s0 =	simm.s32 @p0 $0x1  }
0x13: {  	[smem:$0x3FB1] =	sst s0;
	s0 =	simm.s32 @!p1 $0x0  }
0x14: {  	s2 =	sld [smem:$0x3F95];
	s0 =	simm.s32 @p1 $0x1  }
0x15: {  	[smem:$0x3FB2] =	sst s0;
	s0 =	simm.s32 @!p2 $0x0  }
0x16: {  	s3 =	sld [smem:$0x3FDB];
	s0 =	simm.s32 @p2 $0x1  }
0x17: {  	s4 =	simm.s32 $0x1BF5;
	[smem:$0x3FB4] =	sst s0  }
0x18: {  	s0 =	sld [smem:$0x3F97];
	_ =	swait.ge [sflag:s4], $0x0  }
0x19: {  	s7 =	sld [smem:$0x3F98]  }
0x1a: {  	s8 =	sadd.s32 $0xFFFFE003, lr  }
0x1b: {  	s9 =	sadd.s32 $0xFFFFFEF7, lr;
	s5 =	simm.s32 $0xFFFFFFFF;
	p2 =	slt.u32 s8, $0xFFFFF086  }
0x1c: {  	p1 =	slt.u32 s9, $0xF7A;
	s5 =	simm.s32 @!p2 $0x0  }
0x1d: {  	s5 =	simm.s32 @p1 $0x1;
	p0 =	seq.s32 s7, s2  }
0x1e: {  	s7 =	smul.u32 @!p0 $0xF7A, s2;
	p2 =	seq.s32 @!p0 s5, $0x0  }
0x1f: {  	s9 =	smul.u32 $0xF7A, s1;
	s8 =	simm.s32 @!p0 $0x1BF5;
	p2 =	por !p2, p0  }
0x20: {  	[sflag:s8] =	ssyncset.s32 @!p0 $0xFFFFF086;
	s6 =	sadd.s32 @!p0 s3, s7;
	s7 =	simm.s32 @!p0 $0x108  }
0x21: {  	s3 =	sadd.s32 s3, s9;
	s6 =	sadd.s32 @!p0 $0x88, s6;
	s7 =	simm.s32 @p2 $0x1082  }
0x22: {  	[simem:s7], [sflag:s8] =	dma.local @!p0 [hbm:s6], $0xF7A  }
0x23: {  	s9 =	sor.u32 $0xD0000000, s2;
	s6 =	simm.s32 $0x108;
	_ =	swait.ge @!p0 [sflag:s8], $0x0  }
0x24: {  	s3 =	sadd.s32 $0x88, s3;
	s6 =	simm.s32 @!p1 $0x1082;
	[sflag:s4] =	ssyncset.s32 $0xFFFFF086  }
0x25: {  	[simem:s6], [sflag:s4] =	dma.local [hbm:s3], $0xF7A  }
0x26: {  	[smem:$0x3F98] =	sst s1;
	(tag) =	ssettag s2;
	_ =	strace s9  }
0x27: {  	s1 =	sld [smem:$0x3FA8]  }
0x28: {  	s2 =	sld [smem:$0x3FA9]  }
0x29: {  	s4 =	sld [smem:$0x3FAB]  }
0x2a: {  	p0 =	seq.s32 s5, $0x0;
	s5 =	sld [smem:$0x3FAC]  }
0x2b: {  	s6 =	sld [smem:$0x3FAD]  }
0x2c: {  	s7 =	sld [smem:$0x3FAE]  }
0x2d: {  	s3 =	simm.s32 $0x108;
	s8 =	sld [smem:$0x3FAF]  }
0x2e: {  	s3 =	simm.s32 @!p0 $0x1082;
	s9 =	sld [smem:$0x3FB0]  }
0x2f: {  	lr =	sadd.s32 s0, s3;
	s0 =	sld [smem:$0x3FA7]  }
0x30: {  	s3 =	sld [smem:$0x3FAA]  }
0x31: {  	[smem:$0x3FB3] =	sst s10  }
0x32: {  	s10 =	sld [smem:$0x3FB1];
	_ =	sdelay $0x3  }
0x33: {  	p0 =	seq.s32 s10, $0x1;
	s10 =	sld [smem:$0x3FB3];
	_ =	sdelay $0x3  }
0x34: {  	[smem:$0x3FB3] =	sst s10  }
0x35: {  	s10 =	sld [smem:$0x3FB2];
	_ =	sdelay $0x3  }
0x36: {  	p1 =	seq.s32 s10, $0x1;
	s10 =	sld [smem:$0x3FB3];
	_ =	sdelay $0x3  }
0x37: {  	[smem:$0x3FB3] =	sst s10  }
0x38: {  	s10 =	sld [smem:$0x3FB4]  }
0x39: {  	_ = 	snop;
	(pc) =	sbr.ind lr, $3  }
0x3a: {  	_ = 	snop  }
0x3b: {  	_ = 	snop  }
0x3c: {  	p2 =	seq.s32 s10, $0x1;
	s10 =	sld [smem:$0x3FB3]  }
0x3d: {  	_ =	shalt  }
0x3e: {  	_ =	shalt  }
0x3f: {  	_ =	shalt  }
0x40: {  	_ =	shalt  }
0x41: {  	_ =	shalt  }
0x42: {  	_ =	shalt  }
0x43: {  	_ =	shalt  }
0x44: {  	_ =	shalt  }
0x45: {  	_ =	shalt  }
0x46: {  	_ =	shalt  }
0x47: {  	_ =	shalt  }
0x48: {  	_ =	shalt  }
0x49: {  	_ =	shalt  }
0x4a: {  	_ =	shalt  }
0x4b: {  	_ =	shalt  }
0x4c: {  	_ =	shalt  }
0x4d: {  	_ =	shalt  }
0x4e: {  	_ =	shalt  }
0x4f: {  	_ =	shalt  }
0x50: {  	_ =	shalt  }
0x51: {  	_ =	shalt  }
0x52: {  	_ =	shalt  }
0x53: {  	_ =	shalt  }
0x54: {  	_ =	shalt  }
0x55: {  	_ =	shalt  }
0x56: {  	_ =	shalt  }
0x57: {  	_ =	shalt  }
0x58: {  	_ =	shalt  }
0x59: {  	_ =	shalt  }
0x5a: {  	_ =	shalt  }
0x5b: {  	_ =	shalt  }
0x5c: {  	_ =	shalt  }
0x5d: {  	_ =	shalt  }
0x5e: {  	_ =	shalt  }
0x5f: {  	_ =	shalt  }
0x60: {  	_ =	shalt  }
0x61: {  	_ =	shalt  }
0x62: {  	_ =	shalt  }
0x63: {  	_ =	shalt  }
0x64: {  	_ =	shalt  }
0x65: {  	_ =	shalt  }
0x66: {  	_ =	shalt  }
0x67: {  	_ =	shalt  }
0x68: {  	_ =	shalt  }
0x69: {  	_ =	shalt  }
0x6a: {  	_ =	shalt  }
0x6b: {  	_ =	shalt  }
0x6c: {  	_ =	shalt  }
0x6d: {  	_ =	shalt  }
0x6e: {  	_ =	shalt  }
0x6f: {  	_ =	shalt  }
0x70: {  	_ =	shalt  }
0x71: {  	_ =	shalt  }
0x72: {  	_ =	shalt  }
0x73: {  	_ =	shalt  }
0x74: {  	_ =	shalt  }
0x75: {  	_ =	shalt  }
0x76: {  	_ =	shalt  }
0x77: {  	_ =	shalt  }
0x78: {  	_ =	shalt  }
0x79: {  	_ =	shalt  }
0x7a: {  	_ =	shalt  }
0x7b: {  	_ =	shalt  }
0x7c: {  	_ =	shalt  }
0x7d: {  	_ =	shalt  }
0x7e: {  	_ =	shalt  }
0x7f: {  	_ =	shalt  }
0x80: {  	_ =	shalt  }
0x81: {  	_ =	shalt  }
0x82: {  	_ =	shalt  }
0x83: {  	_ =	shalt  }
0x84: {  	_ =	shalt  }
0x85: {  	_ =	shalt  }
0x86: {  	_ =	shalt  }
0x87: {  	_ =	shalt  }
.Lfunc_end0:
.L_simem_size_0:
called_computation.2_lowered:
.L_overlay_start_0:
0x88: {  	s2 =	sld [smem:$0x3FD9]  }
0x89: {  	s3 =	sld [smem:$0x3FFE];
	_ =	sdelay $0x1  }
0x8a: {  	s1 =	srdreg.scid  }
0x8b: {  	s0 =	sand.u32 $0x1, s1  }
0x8c: {  	s16 =	sshll.u32 s0, $0xA;
	s2 =	sadd.s32 s3, s2  }
0x8d: {  	s2 =	sadd.s32 s2, s16  }
0x8e: {  	[smem:$0x3FBF] =	sst s2  }
0x8f: {  	_ = 	snop  }
0x90: {  	(tm) =	ssettm $0x1  }
0x91: {  	s17 =	sld [smem:$0x3FFB];
	_ =	sdelay $0x3  }
0x92: {  	_ =	strace s17  }
0x93: {  	s2 =	sld [smem:$0x3FFC];
	_ =	sdelay $0x3  }
0x94: {  	_ =	strace s2  }
0x95: {  	s2 =	sld [smem:$0x3FFD];
	_ =	sdelay $0x3  }
0x96: {  	_ =	strace s2  }
0x97: {  	_ =	strace $0x8FFFFFFF  }
0x98: {  	s18 =	sld [smem:$0x3FDB];
	_ =	sdelay $0x1  }
0x99: {  	s19 =	simm.s32 $_scs_section_size  }
0x9a: {  	s4 =	simm.s32 $_size__tile_overlayer_lowered;
	s5 =	simm.s32 $_tile_overlayer_lowered  }
0x9b: {  	s22 =	simm.s32 $0x1BFF;
	s21 =	sshll.u32 s5, $0x1;
	s2 =	sadd.s32 s19, s18  }
0x9c: {  	s6 =	simm.s32 $0x0;
	s20 =	sshll.u32 s4, $0x1;
	s4 =	sadd.s32 s21, s2  }
0x9d: {  	[timem:s6], [sflag:s22] =	dma.local [hbm:s4], s20  }
0x9e: {  	_ =	swait.ge [sflag:s22], s20  }
0x9f: {  	s3 =	ssub.s32 $0x0, s20;
	[sflag:s22] =	ssyncset.done $0x0  }
0xa0: {  	[sflag:s22] =	ssyncadd.s32 s3;
	_ =	sdelay $0x1  }
0xa1: {  	s23 =	simm.s32 $0x1B8B  }
0xa2: {  	_ =	swait.ge [sflag:s23], $0x1  }
0xa3: {  	[sflag:s23] =	ssyncset.done $0x0  }
0xa4: {  	s25 =	simm.s32 $0x1B8E;
	s24 =	sld [smem:$0x3FFE];
	[sflag:s23] =	ssyncadd.s32 $0xFFFFFFFF  }
0xa5: {  	s26 =	simm.s32 $execute0_lowered;
	[smem:$0x3FD2] =	sst s25  }
0xa6: {  	s4 =	sshll.u32 s26, $0x1;
	_ =	strace $0x8000004C;
	[dreg:$0x1] =	wrdreg $0xFFFFFFFF  }
0xa7: {  	s28 =	simm.s32 $_size_execute0_lowered;
	s2 =	sadd.s32 s2, s4;
	[dreg:$0x0] =	wrdreg $0x0  }
0xa8: {  	s4 =	sshll.u32 s28, $0x1;
	[dreg:$0x2] =	wrdreg s2  }
0xa9: {  	[dreg:$0x3] =	wrdreg s4  }
0xaa: {  	[dreg:$0x4] =	wrdreg $0xC0  }
0xab: {  	_ =	task [dreg:s6], $0x5FFFF  }
0xac: {  	[dreg:$0x1] =	wrdreg $0xFFFFFFFF  }
0xad: {  	[dreg:$0x0] =	wrdreg $0x60  }
0xae: {  	[dreg:$0x2] =	wrdreg s24  }
0xaf: {  	[dreg:$0x3] =	wrdreg $0x9  }
0xb0: {  	_ =	task.clear_ibuf [dreg:s6], $0x4FFFF;
	_ =	strace $0x9000004C  }
0xb1: {  	s29 =	simm.s32 $0x9;
	_ =	strace $0x8000004E  }
0xb2: {  	_ =	swait.ge [sflag:s29], $0x1  }
0xb3: {  	[sflag:s29] =	ssyncadd.s32 $0xFFFFFFFF  }
0xb4: {  	_ =	strace $0x9000004E  }
0xb5: {  	_ =	sfence  }
0xb6: {  	s30 =	sld [smem:$0x0];
	_ =	sdelay $0x2  }
0xb7: {  	s31 =	sshll.u32 s1, $0xD;
	s1 =	sshrl.u32 s1, $0x2  }
0xb8: {  	s3 =	sand.u32 $0x4000, s31;
	s1 =	sadd.s32 s1, s30  }
0xb9: {  	s0 =	sor.u32 s3, s0;
	s1 =	sshll.u32 s1, $0x11  }
0xba: {  	s0 =	sor.u32 s1, s0  }
0xbb: {  	s0 =	sadd.s32 $0x8F2B, s0  }
0xbc: {  	[sflag:s0] =	ssyncadd.remote.s32 $0x1  }
0xbd: {  	_ =	sfence.sel $0xFFFF  }
0xbe: {  	[dreg:$0x0] =	wrdreg $0xFFFFFFFF;
	(pc) =	sbr.abs _section_cstart, $3  }
0xbf: {  	[dreg:$0x1] =	wrdreg $0xFFFFFFFF  }
0xc0: {  	_ =	task.clear_ibuf [dreg:s6], $0x2FFFF;
	_ =	strace $0x9FFFFFFF  }
0xc1: {  	(tm) =	ssettm $0x7FFFFFFF  }
tec
execute0_lowered:
.L_overlay_start_1:
0x0: {  	(tag) =	ssettag $0x1  }
0x1: {  	s0 =	srdreg.scid;
	s5 =	rddreg [dreg:$0x0]  }
0x2: {  	s1 =	stileid.u32;
	s6 =	simm.s32 $0x1;
	s9 =	simm.s32 $0x1  }
0x3: {  	s10 =	simm.s32 $0x3;
	s13 =	simm.s32 $0x0;
	s2 =	sshll.u32 s0, $0x8  }
0x4: {  	s12 =	simm.s32 $0x0;
	s3 =	sshll.u32 s1, $0x9;
	s2 =	sand.u32 $0x100, s2  }
0x5: {  	s0 =	rddreg [dreg:$0x1];
	_ =	strace $0x8000004D;
	s2 =	sor.u32 s3, s2  }
0x6: {  	s4 =	sadd.s32 $0xC00, s5;
	[sflag:s6] =	ssyncpa.u1 $0x0;
	s8 =	ssub.s32 $0x3000, s2  }
.Ltmp0:
0x7: {  	s3 =	sadd.s32 $0x1A00, s5;
	s7 =	sand.u32 $0x1F00, s8;
	(pc) =	sbr.rel .LBB2_1-.Ltmp0, $4  }
0x8: {  	s5 =	sadd.s32 $0x2000, s5;
	s11 =	smov.u32 s2;
	p0 =	sne.s32 s7, $0x0  }
0x9: {  	s8 =	sshrl.u32 s8, $0xD;
	s7 =	simm.s32 $0x2;
	s9 =	simm.s32 @!p0 $0x0  }
0xa: {  	[sflag:s7] =	ssyncpa.u1 $0x0;
	p0 =	por $0x0, $0x0;
	s8 =	sadd.s32 s9, s8  }
0xb: {  	vm0 =	vmmov $0xffff;
	[sflag:s10] =	ssyncpa.u1 $0x0;
	s10 =	simm.s32 $0x0;
	s9 =	sadd.s32 $0x1, s8  }
.LBB2_4:
0xc: {  	v2 =	vnsel vm1, $0x0, v2  }
0xd: {  	vm1 =	vgt.s32 v0, $0x0;
	v2 =	vmin.u32 v2, $0x2FFF  }
0xe: {  	v0 =	vnsel vm1, $0x0, v0  }
0xf: {  	v0 =	vmin.u32 v0, $0x2FFF  }
0x10: {  	[tilespmem:s15], [sflag:$0x1] =	stream.indirect_vreg.gather [hbm4b:s3+s10], $0x1, v1, vm0, $0x4038;
	[tilespmem:$0x400] =	vst v63  }
0x11: {  	(ifvalue) =	ssetifvalue $0x7FFFFFFF  }
0x12: {  	[tilespmem:s16], [sflag:$0x1] =	stream.indirect_vreg.gather [hbm4b:s3+s10], $0x1, v2, vm0, $0x4038;
	[tilespmem:$0x400] =	vst v63  }
0x13: {  	s29 =	sadd.s32 $0x10, s16;
	(ifvalue) =	ssetifvalue $0x7FFFFFFF  }
0x14: {  	[tilespmem:s29], [sflag:$0x1] =	stream.indirect_vreg.gather [hbm4b:s3+s10], $0x1, v0, vm0, $0x4038;
	[tilespmem:$0x400] =	vst v63  }
0x15: {  	_ =	swait.ge [sflag:s6], $0x100  }
0x16: {  	s30 =	sshrl.u32 s13, $0x3;
	[sflag:s6] =	ssyncset.done $0x0  }
0x17: {  	s31 =	sand.u32 $0x7, s13;
	s15 =	sadd.s32 s5, s30;
	[sflag:s6] =	ssyncadd.s32 $0xFFFFFF00  }
0x18: {  	[hbm4b:s15+s31] =	stream.linear.scatter [tilespmem:s14], [sflag:$0x3], $0x100, $0x38;
	[tilespmem:$0x400] =	vst v63  }
.LBB2_5:
0x19: {  	s15 =	sadd.s32 $0x2000, s11  }
0x1a: {  	p2 =	sgt.s32 s15, $0x2FFF  }
0x1b: {  	s15 =	smov.u32 @p2 s2;
	p2 =	sne.s32 s12, s9  }
.Ltmp1:
0x1c: {  	p1 =	slt.u32 s12, $0x2;
	(pc) =	sbr.rel @!p2 .LBB2_6-.Ltmp1, $4  }
0x1d: {  	s14 =	simm.s32 @!p1 $0x3  }
0x1e: {  	s16 =	sadd.s32 $0x1, s12;
	_ =	swait.ge @!p1 [sflag:s14], $0x100  }
0x1f: {  	s13 =	smov.u32 s11;
	p0 =	por !p0, !p0;
	[sflag:s14] =	ssyncset.done @!p1 $0x0  }
0x20: {  	s12 =	smov.u32 s16;
	s11 =	smov.u32 s15;
	[sflag:s14] =	ssyncadd.s32 @!p1 $0xFFFFFF00  }
.LBB2_1:
0x21: {  	p1 =	sge.u32 s12, s8  }
0x22: {  	s14 =	sxor.u32 @!p1 $0xFFFFFFFF, s12  }
0x23: {  	s31 =	sadd.s32 $0xFFFFFFFF, s12;
	s15 =	sshrl.u32 @!p1 s11, $0x3;
	s14 =	sshll.u32 @!p1 s14, $0x8  }
0x24: {  	s16 =	sand.u32 @!p1 $0x7, s11;
	s15 =	sadd.s32 @!p1 s4, s15;
	s14 =	sand.u32 @!p1 $0x100, s14  }
0x25: {  	[tilespmem:s14], [sflag:$0x2] =	stream.linear.gather @!p1 [hbm4b:s15+s16], $0x100, $0x38;
	[tilespmem:$0x400] =	vst v63  }
0x26: {  	p1 =	sge.u32 s31, s8  }
.Ltmp2:
0x27: {  	_ = 	snop;
	(pc) =	sbr.rel @p1 .LBB2_5-.Ltmp2, $1  }
0x28: {  	_ =	sdelay $0x3  }
0x29: {  	s14 =	simm.s32 $0x1  }
0x2a: {  	_ =	swait.ge [sflag:s7], $0x100;
	s14 =	simm.s32 @!p0 $0x0  }
0x2b: {  	[sflag:s7] =	ssyncset.done $0x0;
	s14 =	sshll.u32 s14, $0x8  }
0x2c: {  	[sflag:s7] =	ssyncadd.s32 $0xFFFFFF00;
	(ifvalue) =	ssetifvalue $0x7FFFFFFF;
	v0 =	vld.msk [tilespmem:s14+$0x0 ss:$0x1], $0xffff;
	_ =	sdelay $0x4  }
0x2d: {  	s15 =	sadd.s32 $0x10, s14;
	vm1 =	vgt.s32 v0, $0x0  }
0x2e: {  	v2 =	vld.msk [tilespmem:s15+$0x0 ss:$0x1], $0xffff;
	v1 =	vnsel vm1, $0x0, v0  }
0x2f: {  	v1 =	vmin.u32 v1, $0x2FFF;
	_ =	sdelay $0x1  }
0x30: {  	s16 =	sshll.u32 s12, $0x8;
	s18 =	simm.s32 $0x20  }
0x31: {  	s16 =	sand.u32 $0x100, s16;
	s17 =	sadd.s32 $0x10, s15;
	s15 =	sor.u32 $0x200, s14  }
0x32: {  	s14 =	sor.u32 $0x200, s16;
	s16 =	sadd.s32 $0x10, s15;
	v0 =	vld.msk [tilespmem:s17+$0x0 ss:$0x1], $0xffff;
	vm1 =	vgt.s32 v2, $0x0;
	(ifvalue) =	ssetifvalue $0x7FFFFFFF  }
.LBB2_3:
0x33: {  	[tilespmem:s15], [sflag:$0x1] =	stream.indirect_vreg.gather [hbm4b:s3+s10], $0x1, v1, vm0, $0x4038;
	[tilespmem:$0x400] =	vst v63  }
0x34: {  	s18 =	sadd.s32 $0x10, s18  }
0x35: {  	v2 =	vnsel vm1, $0x0, v2;
	p1 =	slt.u32 s18, $0xF0  }
.Ltmp3:
0x36: {  	s15 =	smov.u32 s16;
	v1 =	vmin.u32 v2, $0x2FFF;
	(pc) =	sbr.rel @p1 .LBB2_3-.Ltmp3, $3  }
0x37: {  	_ =	sdelay $0x1  }
0x38: {  	s17 =	sadd.s32 $0x10, s17  }
0x39: {  	vm1 =	vgt.s32 v0, $0x0;
	s16 =	sadd.s32 $0x10, s16;
	v2 =	vmov v0;
	(ifvalue) =	ssetifvalue $0x7FFFFFFF;
	v0 =	vld.msk [tilespmem:s17+$0x0 ss:$0x1], $0xffff  }
.Ltmp4:
0x3a: {  	_ = 	snop;
	(pc) =	sbr.rel .LBB2_4-.Ltmp4, $1  }
0x3b: {  	_ =	sdelay $0x3  }
.LBB2_6:
0x3c: {  	_ =	sfence.sel $0x180000  }
0x3d: {  	s2 =	simm.s32 $0x2;
	[bflag:$0x0] =	sbarrier.arrive $0xFFFF  }
0x3e: {  	s30 =	simm.s32 $0x3;
	[sflag:s2] =	ssyncpa.u1 $0x1  }
0x3f: {  	s31 =	simm.s32 $0x1;
	[sflag:s30] =	ssyncpa.u1 $0x1  }
0x40: {  	[sflag:s31] =	ssyncpa.u1 $0x1  }
0x41: {  	p0 =	sne.s32 s1, $0x0;
	_ =	strace $0x9000004D  }
0x42: {  	s0 =	sadd.s32 @!p0 $0x100000, s0;
	[bflag:$0x2] =	sbarrier.arrive $0xFFFF  }
0x43: {  	[sflag:s0] =	ssyncadd.tile.s32 @!p0 $0x1;
	_ =	shalt  }
.Lfunc_end2:
_tile_overlayer_lowered:
.L_overlay_start_2:
0x44: {  	(tag) =	ssettag $0x2  }
0x45: {  	s0 =	rddreg [dreg:$0x0];
	s2 =	stileid.u32  }
0x46: {  	s1 =	rddreg [dreg:$0x1];
	p0 =	sne.s32 s2, $0x0  }
0x47: {  	s3 =	rddreg [dreg:$0x2];
	[bflag:$0x3] =	sbarrier.arrive $0xFFFF;
	s2 =	simm.s32 @!p0 $0x1C01  }
0x48: {  	[timem:s3], [sflag:s2] =	dma.local @!p0 [hbm:s0], s1  }
0x49: {  	s0 =	simm.s32 @!p0 $0x1  }
0x4a: {  	_ =	swait.ge @!p0 [sflag:s0], s1  }
0x4b: {  	s1 =	ssub.s32 @!p0 $0x0, s1;
	[sflag:s0] =	ssyncset.done @!p0 $0x0  }
0x4c: {  	[sflag:s0] =	ssyncadd.s32 @!p0 s1  }
0x4d: {  	[bflag:$0x3] =	sbarrier.arrive $0xFFFF  }
0x4e: {  	_ =	shalt  }

// kernel: gather_offload_async_start
scs
__scs_entry_jumppad:
0x0: {  	(pc) =	sbr.rel $0x88, $3  }
0x1: {  	(tag) =	ssettag $0x0;
	lr =	simm.s32 $0x1  }
0x2: {  	[smem:$0x3F98] =	sst lr;
	_ =	strace $0xD0000000  }
0x3: {  	_ = 	snop  }
0x4: {  	_ = 	snop  }
0x5: {  	_ = 	snop  }
0x6: {  	_ = 	snop  }
0x7: {  	_ = 	snop  }
__scs_overlays_trampoline_lowered:
0x8: {  	[smem:$0x3FA7] =	sst s0  }
0x9: {  	[smem:$0x3FA8] =	sst s1  }
0xa: {  	[smem:$0x3FA9] =	sst s2  }
0xb: {  	[smem:$0x3FAA] =	sst s3  }
0xc: {  	[smem:$0x3FAB] =	sst s4  }
0xd: {  	[smem:$0x3FAC] =	sst s5  }
0xe: {  	[smem:$0x3FAD] =	sst s6  }
0xf: {  	[smem:$0x3FAE] =	sst s7  }
0x10: {  	[smem:$0x3FAF] =	sst s8  }
0x11: {  	[smem:$0x3FB0] =	sst s9;
	s0 =	simm.s32 @!p0 $0x0  }
0x12: {  	s1 =	sld [smem:$0x3F96];
	s0 =	simm.s32 @p0 $0x1  }
0x13: {  	[smem:$0x3FB1] =	sst s0;
	s0 =	simm.s32 @!p1 $0x0  }
0x14: {  	s2 =	sld [smem:$0x3F95];
	s0 =	simm.s32 @p1 $0x1  }
0x15: {  	[smem:$0x3FB2] =	sst s0;
	s0 =	simm.s32 @!p2 $0x0  }
0x16: {  	s3 =	sld [smem:$0x3FDB];
	s0 =	simm.s32 @p2 $0x1  }
0x17: {  	s4 =	simm.s32 $0x1BF5;
	[smem:$0x3FB4] =	sst s0  }
0x18: {  	s0 =	sld [smem:$0x3F97];
	_ =	swait.ge [sflag:s4], $0x0  }
0x19: {  	s7 =	sld [smem:$0x3F98]  }
0x1a: {  	s8 =	sadd.s32 $0xFFFFE003, lr  }
0x1b: {  	s9 =	sadd.s32 $0xFFFFFEF7, lr;
	s5 =	simm.s32 $0xFFFFFFFF;
	p2 =	slt.u32 s8, $0xFFFFF086  }
0x1c: {  	p1 =	slt.u32 s9, $0xF7A;
	s5 =	simm.s32 @!p2 $0x0  }
0x1d: {  	s5 =	simm.s32 @p1 $0x1;
	p0 =	seq.s32 s7, s2  }
0x1e: {  	s7 =	smul.u32 @!p0 $0xF7A, s2;
	p2 =	seq.s32 @!p0 s5, $0x0  }
0x1f: {  	s9 =	smul.u32 $0xF7A, s1;
	s8 =	simm.s32 @!p0 $0x1BF5;
	p2 =	por !p2, p0  }
0x20: {  	[sflag:s8] =	ssyncset.s32 @!p0 $0xFFFFF086;
	s6 =	sadd.s32 @!p0 s3, s7;
	s7 =	simm.s32 @!p0 $0x108  }
0x21: {  	s3 =	sadd.s32 s3, s9;
	s6 =	sadd.s32 @!p0 $0x88, s6;
	s7 =	simm.s32 @p2 $0x1082  }
0x22: {  	[simem:s7], [sflag:s8] =	dma.local @!p0 [hbm:s6], $0xF7A  }
0x23: {  	s9 =	sor.u32 $0xD0000000, s2;
	s6 =	simm.s32 $0x108;
	_ =	swait.ge @!p0 [sflag:s8], $0x0  }
0x24: {  	s3 =	sadd.s32 $0x88, s3;
	s6 =	simm.s32 @!p1 $0x1082;
	[sflag:s4] =	ssyncset.s32 $0xFFFFF086  }
0x25: {  	[simem:s6], [sflag:s4] =	dma.local [hbm:s3], $0xF7A  }
0x26: {  	[smem:$0x3F98] =	sst s1;
	(tag) =	ssettag s2;
	_ =	strace s9  }
0x27: {  	s1 =	sld [smem:$0x3FA8]  }
0x28: {  	s2 =	sld [smem:$0x3FA9]  }
0x29: {  	s4 =	sld [smem:$0x3FAB]  }
0x2a: {  	p0 =	seq.s32 s5, $0x0;
	s5 =	sld [smem:$0x3FAC]  }
0x2b: {  	s6 =	sld [smem:$0x3FAD]  }
0x2c: {  	s7 =	sld [smem:$0x3FAE]  }
0x2d: {  	s3 =	simm.s32 $0x108;
	s8 =	sld [smem:$0x3FAF]  }
0x2e: {  	s3 =	simm.s32 @!p0 $0x1082;
	s9 =	sld [smem:$0x3FB0]  }
0x2f: {  	lr =	sadd.s32 s0, s3;
	s0 =	sld [smem:$0x3FA7]  }
0x30: {  	s3 =	sld [smem:$0x3FAA]  }
0x31: {  	[smem:$0x3FB3] =	sst s10  }
0x32: {  	s10 =	sld [smem:$0x3FB1];
	_ =	sdelay $0x3  }
0x33: {  	p0 =	seq.s32 s10, $0x1;
	s10 =	sld [smem:$0x3FB3];
	_ =	sdelay $0x3  }
0x34: {  	[smem:$0x3FB3] =	sst s10  }
0x35: {  	s10 =	sld [smem:$0x3FB2];
	_ =	sdelay $0x3  }
0x36: {  	p1 =	seq.s32 s10, $0x1;
	s10 =	sld [smem:$0x3FB3];
	_ =	sdelay $0x3  }
0x37: {  	[smem:$0x3FB3] =	sst s10  }
0x38: {  	s10 =	sld [smem:$0x3FB4]  }
0x39: {  	_ = 	snop;
	(pc) =	sbr.ind lr, $3  }
0x3a: {  	_ = 	snop  }
0x3b: {  	_ = 	snop  }
0x3c: {  	p2 =	seq.s32 s10, $0x1;
	s10 =	sld [smem:$0x3FB3]  }
0x3d: {  	_ =	shalt  }
0x3e: {  	_ =	shalt  }
0x3f: {  	_ =	shalt  }
0x40: {  	_ =	shalt  }
0x41: {  	_ =	shalt  }
0x42: {  	_ =	shalt  }
0x43: {  	_ =	shalt  }
0x44: {  	_ =	shalt  }
0x45: {  	_ =	shalt  }
0x46: {  	_ =	shalt  }
0x47: {  	_ =	shalt  }
0x48: {  	_ =	shalt  }
0x49: {  	_ =	shalt  }
0x4a: {  	_ =	shalt  }
0x4b: {  	_ =	shalt  }
0x4c: {  	_ =	shalt  }
0x4d: {  	_ =	shalt  }
0x4e: {  	_ =	shalt  }
0x4f: {  	_ =	shalt  }
0x50: {  	_ =	shalt  }
0x51: {  	_ =	shalt  }
0x52: {  	_ =	shalt  }
0x53: {  	_ =	shalt  }
0x54: {  	_ =	shalt  }
0x55: {  	_ =	shalt  }
0x56: {  	_ =	shalt  }
0x57: {  	_ =	shalt  }
0x58: {  	_ =	shalt  }
0x59: {  	_ =	shalt  }
0x5a: {  	_ =	shalt  }
0x5b: {  	_ =	shalt  }
0x5c: {  	_ =	shalt  }
0x5d: {  	_ =	shalt  }
0x5e: {  	_ =	shalt  }
0x5f: {  	_ =	shalt  }
0x60: {  	_ =	shalt  }
0x61: {  	_ =	shalt  }
0x62: {  	_ =	shalt  }
0x63: {  	_ =	shalt  }
0x64: {  	_ =	shalt  }
0x65: {  	_ =	shalt  }
0x66: {  	_ =	shalt  }
0x67: {  	_ =	shalt  }
0x68: {  	_ =	shalt  }
0x69: {  	_ =	shalt  }
0x6a: {  	_ =	shalt  }
0x6b: {  	_ =	shalt  }
0x6c: {  	_ =	shalt  }
0x6d: {  	_ =	shalt  }
0x6e: {  	_ =	shalt  }
0x6f: {  	_ =	shalt  }
0x70: {  	_ =	shalt  }
0x71: {  	_ =	shalt  }
0x72: {  	_ =	shalt  }
0x73: {  	_ =	shalt  }
0x74: {  	_ =	shalt  }
0x75: {  	_ =	shalt  }
0x76: {  	_ =	shalt  }
0x77: {  	_ =	shalt  }
0x78: {  	_ =	shalt  }
0x79: {  	_ =	shalt  }
0x7a: {  	_ =	shalt  }
0x7b: {  	_ =	shalt  }
0x7c: {  	_ =	shalt  }
0x7d: {  	_ =	shalt  }
0x7e: {  	_ =	shalt  }
0x7f: {  	_ =	shalt  }
0x80: {  	_ =	shalt  }
0x81: {  	_ =	shalt  }
0x82: {  	_ =	shalt  }
0x83: {  	_ =	shalt  }
0x84: {  	_ =	shalt  }
0x85: {  	_ =	shalt  }
0x86: {  	_ =	shalt  }
0x87: {  	_ =	shalt  }
.Lfunc_end0:
.L_simem_size_0:
called_computation.1_lowered:
.L_overlay_start_0:
0x88: {  	s2 =	sld [smem:$0x3FD9]  }
0x89: {  	s3 =	sld [smem:$0x3FFE];
	_ =	sdelay $0x1  }
0x8a: {  	s1 =	srdreg.scid  }
0x8b: {  	s0 =	sand.u32 $0x1, s1  }
0x8c: {  	s17 =	sshll.u32 s0, $0xA;
	s2 =	sadd.s32 s3, s2  }
0x8d: {  	s2 =	sadd.s32 s2, s17  }
0x8e: {  	[smem:$0x3FBF] =	sst s2  }
0x8f: {  	_ = 	snop  }
0x90: {  	s2 =	sld [smem:$0x3FD0];
	(tm) =	ssettm $0x1  }
0x91: {  	s18 =	sld [smem:$0x3FFB];
	_ =	sdelay $0x3  }
0x92: {  	_ =	strace s18  }
0x93: {  	s3 =	sld [smem:$0x3FFC];
	_ =	sdelay $0x3  }
0x94: {  	_ =	strace s3  }
0x95: {  	s3 =	sld [smem:$0x3FFD];
	_ =	sdelay $0x3  }
0x96: {  	_ =	strace s3  }
0x97: {  	_ =	strace $0x8FFFFFFF  }
0x98: {  	s19 =	sld [smem:$0x3FDB];
	_ =	sdelay $0x1  }
0x99: {  	s4 =	simm.s32 $_scs_section_size  }
0x9a: {  	s5 =	simm.s32 $_size__tile_overlayer_lowered;
	s6 =	simm.s32 $_tile_overlayer_lowered  }
0x9b: {  	s22 =	simm.s32 $0x1BFF;
	s21 =	sshll.u32 s6, $0x1;
	s3 =	sadd.s32 s4, s19  }
0x9c: {  	s7 =	simm.s32 $0x0;
	s20 =	sshll.u32 s5, $0x1;
	s5 =	sadd.s32 s21, s3  }
0x9d: {  	[timem:s7], [sflag:s22] =	dma.local [hbm:s5], s20  }
0x9e: {  	_ =	swait.ge [sflag:s22], s20  }
0x9f: {  	s4 =	ssub.s32 $0x0, s20;
	[sflag:s22] =	ssyncset.done $0x0  }
0xa0: {  	[sflag:s22] =	ssyncadd.s32 s4;
	_ =	sdelay $0x1  }
0xa1: {  	s23 =	simm.s32 $0x1B8B  }
0xa2: {  	_ =	swait.ge [sflag:s23], $0x1  }
0xa3: {  	[sflag:s23] =	ssyncset.done $0x0  }
0xa4: {  	s25 =	simm.s32 $0x1B8E;
	s24 =	sld [smem:$0x3FFE];
	[sflag:s23] =	ssyncadd.s32 $0xFFFFFFFF  }
0xa5: {  	s26 =	simm.s32 $execute0_lowered;
	[smem:$0x3FD2] =	sst s25  }
0xa6: {  	s5 =	sshll.u32 s26, $0x1;
	_ =	strace $0x80000049;
	[dreg:$0x1] =	wrdreg $0xFFFFFFFF  }
0xa7: {  	s28 =	simm.s32 $_size_execute0_lowered;
	s3 =	sadd.s32 s3, s5;
	[dreg:$0x0] =	wrdreg $0x0  }
0xa8: {  	s5 =	sshll.u32 s28, $0x1;
	[dreg:$0x2] =	wrdreg s3  }
0xa9: {  	[dreg:$0x3] =	wrdreg s5  }
0xaa: {  	[dreg:$0x4] =	wrdreg $0xC0  }
0xab: {  	_ =	task [dreg:s7], $0x5FFFF  }
0xac: {  	[dreg:$0x1] =	wrdreg $0xFFFFFFFF  }
0xad: {  	[dreg:$0x0] =	wrdreg $0x60  }
0xae: {  	[dreg:$0x2] =	wrdreg s24  }
0xaf: {  	[dreg:$0x3] =	wrdreg s2  }
0xb0: {  	[dreg:$0x4] =	wrdreg $0x9  }
0xb1: {  	_ =	task.clear_ibuf [dreg:s7], $0x5FFFF;
	_ =	strace $0x90000049  }
0xb2: {  	s29 =	simm.s32 $0x9;
	_ =	strace $0x8000004B  }
0xb3: {  	_ =	swait.ge [sflag:s29], $0x1  }
0xb4: {  	[sflag:s29] =	ssyncadd.s32 $0xFFFFFFFF  }
0xb5: {  	_ =	strace $0x9000004B  }
0xb6: {  	_ =	sfence  }
0xb7: {  	s30 =	sld [smem:$0x0];
	_ =	sdelay $0x2  }
0xb8: {  	s31 =	sshll.u32 s1, $0xD;
	s1 =	sshrl.u32 s1, $0x2  }
0xb9: {  	s3 =	sand.u32 $0x4000, s31;
	s1 =	sadd.s32 s1, s30  }
0xba: {  	s0 =	sor.u32 s3, s0;
	s1 =	sshll.u32 s1, $0x11  }
0xbb: {  	s0 =	sor.u32 s1, s0  }
0xbc: {  	s0 =	sadd.s32 $0x8F2B, s0  }
0xbd: {  	[sflag:s0] =	ssyncadd.remote.s32 $0x1  }
0xbe: {  	_ =	sfence.sel $0xFFFF  }
0xbf: {  	[dreg:$0x0] =	wrdreg $0xFFFFFFFF;
	(pc) =	sbr.abs _section_cstart, $3  }
0xc0: {  	[dreg:$0x1] =	wrdreg $0xFFFFFFFF  }
0xc1: {  	_ =	task.clear_ibuf [dreg:s7], $0x2FFFF;
	_ =	strace $0x9FFFFFFF  }
0xc2: {  	(tm) =	ssettm $0x7FFFFFFF  }
0xc3: {  	_ =	shalt  }
tec
execute0_lowered:
.L_overlay_start_1:
0x0: {  	(tag) =	ssettag $0x1  }
0x1: {  	s1 =	srdreg.scid;
	s2 =	rddreg [dreg:$0x0]  }
0x2: {  	s0 =	stileid.u32;
	s3 =	rddreg [dreg:$0x1]  }
0x3: {  	s6 =	simm.s32 $0x1;
	s9 =	simm.s32 $0x1;
	s1 =	sshll.u32 s1, $0x8  }
0x4: {  	s10 =	simm.s32 $0x3;
	s4 =	sshll.u32 s0, $0x9;
	s5 =	sand.u32 $0x100, s1  }
0x5: {  	s13 =	simm.s32 $0x0;
	s12 =	simm.s32 $0x0;
	s4 =	sor.u32 s4, s5  }
0x6: {  	s1 =	rddreg [dreg:$0x2];
	_ =	strace $0x8000004A;
	s8 =	ssub.s32 $0x3000, s4  }
.Ltmp0:
0x7: {  	s5 =	sadd.s32 $0xC00, s2;
	s7 =	sand.u32 $0x1F00, s8;
	(pc) =	sbr.rel .LBB2_1-.Ltmp0, $4  }
0x8: {  	[sflag:s6] =	ssyncpa.u1 $0x0;
	s11 =	smov.u32 s4;
	p0 =	sne.s32 s7, $0x0  }
0x9: {  	s8 =	sshrl.u32 s8, $0xD;
	s7 =	simm.s32 $0x2;
	s9 =	simm.s32 @!p0 $0x0  }
0xa: {  	[sflag:s7] =	ssyncpa.u1 $0x0;
	p0 =	por $0x0, $0x0;
	s8 =	sadd.s32 s9, s8  }
0xb: {  	vm0 =	vmmov $0xffff;
	[sflag:s10] =	ssyncpa.u1 $0x0;
	s10 =	simm.s32 $0x0;
	s9 =	sadd.s32 $0x1, s8  }
.LBB2_4:
0xc: {  	v2 =	vnsel vm1, $0x0, v2  }
0xd: {  	vm1 =	vgt.s32 v0, $0x0;
	v2 =	vmin.u32 v2, $0x2FFF  }
0xe: {  	v0 =	vnsel vm1, $0x0, v0  }
0xf: {  	v0 =	vmin.u32 v0, $0x2FFF  }
0x10: {  	[tilespmem:s15], [sflag:$0x1] =	stream.indirect_vreg.gather [hbm4b:s2+s10], $0x1, v1, vm0, $0x4038;
	[tilespmem:$0x400] =	vst v63  }
0x11: {  	(ifvalue) =	ssetifvalue $0x7FFFFFFF  }
0x12: {  	[tilespmem:s16], [sflag:$0x1] =	stream.indirect_vreg.gather [hbm4b:s2+s10], $0x1, v2, vm0, $0x4038;
	[tilespmem:$0x400] =	vst v63  }
0x13: {  	s29 =	sadd.s32 $0x10, s16;
	(ifvalue) =	ssetifvalue $0x7FFFFFFF  }
0x14: {  	[tilespmem:s29], [sflag:$0x1] =	stream.indirect_vreg.gather [hbm4b:s2+s10], $0x1, v0, vm0, $0x4038;
	[tilespmem:$0x400] =	vst v63  }
0x15: {  	_ =	swait.ge [sflag:s6], $0x100  }
0x16: {  	s30 =	sshrl.u32 s13, $0x3;
	[sflag:s6] =	ssyncset.done $0x0  }
0x17: {  	s31 =	sand.u32 $0x7, s13;
	s15 =	sadd.s32 s3, s30;
	[sflag:s6] =	ssyncadd.s32 $0xFFFFFF00  }
0x18: {  	[hbm4b:s15+s31] =	stream.linear.scatter [tilespmem:s14], [sflag:$0x3], $0x100, $0x38;
	[tilespmem:$0x400] =	vst v63  }
.LBB2_5:
0x19: {  	s15 =	sadd.s32 $0x2000, s11  }
0x1a: {  	p2 =	sgt.s32 s15, $0x2FFF  }
0x1b: {  	s15 =	smov.u32 @p2 s4;
	p2 =	sne.s32 s12, s9  }
.Ltmp1:
0x1c: {  	p1 =	slt.u32 s12, $0x2;
	(pc) =	sbr.rel @!p2 .LBB2_6-.Ltmp1, $4  }
0x1d: {  	s14 =	simm.s32 @!p1 $0x3  }
0x1e: {  	s16 =	sadd.s32 $0x1, s12;
	_ =	swait.ge @!p1 [sflag:s14], $0x100  }
0x1f: {  	s13 =	smov.u32 s11;
	p0 =	por !p0, !p0;
	[sflag:s14] =	ssyncset.done @!p1 $0x0  }
0x20: {  	s12 =	smov.u32 s16;
	s11 =	smov.u32 s15;
	[sflag:s14] =	ssyncadd.s32 @!p1 $0xFFFFFF00  }
.LBB2_1:
0x21: {  	p1 =	sge.u32 s12, s8  }
0x22: {  	s14 =	sxor.u32 @!p1 $0xFFFFFFFF, s12  }
0x23: {  	s31 =	sadd.s32 $0xFFFFFFFF, s12;
	s15 =	sshrl.u32 @!p1 s11, $0x3;
	s14 =	sshll.u32 @!p1 s14, $0x8  }
0x24: {  	s16 =	sand.u32 @!p1 $0x7, s11;
	s15 =	sadd.s32 @!p1 s5, s15;
	s14 =	sand.u32 @!p1 $0x100, s14  }
0x25: {  	[tilespmem:s14], [sflag:$0x2] =	stream.linear.gather @!p1 [hbm4b:s15+s16], $0x100, $0x38;
	[tilespmem:$0x400] =	vst v63  }
0x26: {  	p1 =	sge.u32 s31, s8  }
.Ltmp2:
0x27: {  	_ = 	snop;
	(pc) =	sbr.rel @p1 .LBB2_5-.Ltmp2, $1  }
0x28: {  	_ =	sdelay $0x3  }
0x29: {  	s14 =	simm.s32 $0x1  }
0x2a: {  	_ =	swait.ge [sflag:s7], $0x100;
	s14 =	simm.s32 @!p0 $0x0  }
0x2b: {  	[sflag:s7] =	ssyncset.done $0x0;
	s14 =	sshll.u32 s14, $0x8  }
0x2c: {  	[sflag:s7] =	ssyncadd.s32 $0xFFFFFF00;
	(ifvalue) =	ssetifvalue $0x7FFFFFFF;
	v0 =	vld.msk [tilespmem:s14+$0x0 ss:$0x1], $0xffff;
	_ =	sdelay $0x4  }
0x2d: {  	s15 =	sadd.s32 $0x10, s14;
	vm1 =	vgt.s32 v0, $0x0  }
0x2e: {  	v2 =	vld.msk [tilespmem:s15+$0x0 ss:$0x1], $0xffff;
	v1 =	vnsel vm1, $0x0, v0  }
0x2f: {  	v1 =	vmin.u32 v1, $0x2FFF;
	_ =	sdelay $0x1  }
0x30: {  	s16 =	sshll.u32 s12, $0x8;
	s18 =	simm.s32 $0x20  }
0x31: {  	s16 =	sand.u32 $0x100, s16;
	s17 =	sadd.s32 $0x10, s15;
	s15 =	sor.u32 $0x200, s14  }
0x32: {  	s14 =	sor.u32 $0x200, s16;
	s16 =	sadd.s32 $0x10, s15;
	v0 =	vld.msk [tilespmem:s17+$0x0 ss:$0x1], $0xffff;
	vm1 =	vgt.s32 v2, $0x0;
	(ifvalue) =	ssetifvalue $0x7FFFFFFF  }
.LBB2_3:
0x33: {  	[tilespmem:s15], [sflag:$0x1] =	stream.indirect_vreg.gather [hbm4b:s2+s10], $0x1, v1, vm0, $0x4038;
	[tilespmem:$0x400] =	vst v63  }
0x34: {  	s18 =	sadd.s32 $0x10, s18  }
0x35: {  	v2 =	vnsel vm1, $0x0, v2;
	p1 =	slt.u32 s18, $0xF0  }
.Ltmp3:
0x36: {  	s15 =	smov.u32 s16;
	v1 =	vmin.u32 v2, $0x2FFF;
	(pc) =	sbr.rel @p1 .LBB2_3-.Ltmp3, $3  }
0x37: {  	_ =	sdelay $0x1  }
0x38: {  	s17 =	sadd.s32 $0x10, s17  }
0x39: {  	vm1 =	vgt.s32 v0, $0x0;
	s16 =	sadd.s32 $0x10, s16;
	v2 =	vmov v0;
	(ifvalue) =	ssetifvalue $0x7FFFFFFF;
	v0 =	vld.msk [tilespmem:s17+$0x0 ss:$0x1], $0xffff  }
.Ltmp4:
0x3a: {  	_ = 	snop;
	(pc) =	sbr.rel .LBB2_4-.Ltmp4, $1  }
0x3b: {  	_ =	sdelay $0x3  }
.LBB2_6:
0x3c: {  	_ =	sfence.sel $0x180000  }
0x3d: {  	s2 =	simm.s32 $0x2;
	[bflag:$0x0] =	sbarrier.arrive $0xFFFF  }
0x3e: {  	s30 =	simm.s32 $0x3;
	[sflag:s2] =	ssyncpa.u1 $0x1  }
0x3f: {  	s31 =	simm.s32 $0x1;
	[sflag:s30] =	ssyncpa.u1 $0x1  }
0x40: {  	[sflag:s31] =	ssyncpa.u1 $0x1  }
0x41: {  	p0 =	sne.s32 s0, $0x0;
	_ =	strace $0x9000004A  }
0x42: {  	s0 =	sadd.s32 @!p0 $0x100000, s1;
	[bflag:$0x2] =	sbarrier.arrive $0xFFFF  }
0x43: {  	[sflag:s0] =	ssyncadd.tile.s32 @!p0 $0x1;
	_ =	shalt  }
.Lfunc_end2:
_tile_overlayer_lowered:
.L_overlay_start_2:
0x44: {  	(tag) =	ssettag $0x2  }
0x45: {  	s0 =	rddreg [dreg:$0x0];
	s2 =	stileid.u32  }
0x46: {  	s1 =	rddreg [dreg:$0x1];
	p0 =	sne.s32 s2, $0x0  }
0x47: {  	s3 =	rddreg [dreg:$0x2];
	[bflag:$0x3] =	sbarrier.arrive $0xFFFF;
	s2 =	simm.s32 @!p0 $0x1C01  }
0x48: {  	[timem:s3], [sflag:s2] =	dma.local @!p0 [hbm:s0], s1  }
0x49: {  	s0 =	simm.s32 @!p0 $0x1  }
0x4a: {  	_ =	swait.ge @!p0 [sflag:s0], s1  }
0x4b: {  	s1 =	ssub.s32 @!p0 $0x0, s1;
	[sflag:s0] =	ssyncset.done @!p0 $0x0  }
0x4c: {  	[sflag:s0] =	ssyncadd.s32 @!p0 s1  }
0x4d: {  	[bflag:$0x3] =	sbarrier.arrive $0xFFFF  }
0x4e: {  	_ =	shalt  }

// kernel: kernel.6.cloned.1.call-start
scs
__scs_entry_jumppad:
0x0: {  	(pc) =	sbr.rel $0x88, $3  }
0x1: {  	(tag) =	ssettag $0x0;
	lr =	simm.s32 $0x1  }
0x2: {  	[smem:$0x3F98] =	sst lr;
	_ =	strace $0xD0000000  }
0x3: {  	_ = 	snop  }
0x4: {  	_ = 	snop  }
0x5: {  	_ = 	snop  }
0x6: {  	_ = 	snop  }
0x7: {  	_ = 	snop  }
__scs_overlays_trampoline_lowered:
0x8: {  	[smem:$0x3FA7] =	sst s0  }
0x9: {  	[smem:$0x3FA8] =	sst s1  }
0xa: {  	[smem:$0x3FA9] =	sst s2  }
0xb: {  	[smem:$0x3FAA] =	sst s3  }
0xc: {  	[smem:$0x3FAB] =	sst s4  }
0xd: {  	[smem:$0x3FAC] =	sst s5  }
0xe: {  	[smem:$0x3FAD] =	sst s6  }
0xf: {  	[smem:$0x3FAE] =	sst s7  }
0x10: {  	[smem:$0x3FAF] =	sst s8  }
0x11: {  	[smem:$0x3FB0] =	sst s9;
	s0 =	simm.s32 @!p0 $0x0  }
0x12: {  	s1 =	sld [smem:$0x3F96];
	s0 =	simm.s32 @p0 $0x1  }
0x13: {  	[smem:$0x3FB1] =	sst s0;
	s0 =	simm.s32 @!p1 $0x0  }
0x14: {  	s2 =	sld [smem:$0x3F95];
	s0 =	simm.s32 @p1 $0x1  }
0x15: {  	[smem:$0x3FB2] =	sst s0;
	s0 =	simm.s32 @!p2 $0x0  }
0x16: {  	s3 =	sld [smem:$0x3FDB];
	s0 =	simm.s32 @p2 $0x1  }
0x17: {  	s4 =	simm.s32 $0x1BF5;
	[smem:$0x3FB4] =	sst s0  }
0x18: {  	s0 =	sld [smem:$0x3F97];
	_ =	swait.ge [sflag:s4], $0x0  }
0x19: {  	s7 =	sld [smem:$0x3F98]  }
0x1a: {  	s8 =	sadd.s32 $0xFFFFE003, lr  }
0x1b: {  	s9 =	sadd.s32 $0xFFFFFEF7, lr;
	s5 =	simm.s32 $0xFFFFFFFF;
	p2 =	slt.u32 s8, $0xFFFFF086  }
0x1c: {  	p1 =	slt.u32 s9, $0xF7A;
	s5 =	simm.s32 @!p2 $0x0  }
0x1d: {  	s5 =	simm.s32 @p1 $0x1;
	p0 =	seq.s32 s7, s2  }
0x1e: {  	s7 =	smul.u32 @!p0 $0xF7A, s2;
	p2 =	seq.s32 @!p0 s5, $0x0  }
0x1f: {  	s9 =	smul.u32 $0xF7A, s1;
	s8 =	simm.s32 @!p0 $0x1BF5;
	p2 =	por !p2, p0  }
0x20: {  	[sflag:s8] =	ssyncset.s32 @!p0 $0xFFFFF086;
	s6 =	sadd.s32 @!p0 s3, s7;
	s7 =	simm.s32 @!p0 $0x108  }
0x21: {  	s3 =	sadd.s32 s3, s9;
	s6 =	sadd.s32 @!p0 $0x88, s6;
	s7 =	simm.s32 @p2 $0x1082  }
0x22: {  	[simem:s7], [sflag:s8] =	dma.local @!p0 [hbm:s6], $0xF7A  }
0x23: {  	s9 =	sor.u32 $0xD0000000, s2;
	s6 =	simm.s32 $0x108;
	_ =	swait.ge @!p0 [sflag:s8], $0x0  }
0x24: {  	s3 =	sadd.s32 $0x88, s3;
	s6 =	simm.s32 @!p1 $0x1082;
	[sflag:s4] =	ssyncset.s32 $0xFFFFF086  }
0x25: {  	[simem:s6], [sflag:s4] =	dma.local [hbm:s3], $0xF7A  }
0x26: {  	[smem:$0x3F98] =	sst s1;
	(tag) =	ssettag s2;
	_ =	strace s9  }
0x27: {  	s1 =	sld [smem:$0x3FA8]  }
0x28: {  	s2 =	sld [smem:$0x3FA9]  }
0x29: {  	s4 =	sld [smem:$0x3FAB]  }
0x2a: {  	p0 =	seq.s32 s5, $0x0;
	s5 =	sld [smem:$0x3FAC]  }
0x2b: {  	s6 =	sld [smem:$0x3FAD]  }
0x2c: {  	s7 =	sld [smem:$0x3FAE]  }
0x2d: {  	s3 =	simm.s32 $0x108;
	s8 =	sld [smem:$0x3FAF]  }
0x2e: {  	s3 =	simm.s32 @!p0 $0x1082;
	s9 =	sld [smem:$0x3FB0]  }
0x2f: {  	lr =	sadd.s32 s0, s3;
	s0 =	sld [smem:$0x3FA7]  }
0x30: {  	s3 =	sld [smem:$0x3FAA]  }
0x31: {  	[smem:$0x3FB3] =	sst s10  }
0x32: {  	s10 =	sld [smem:$0x3FB1];
	_ =	sdelay $0x3  }
0x33: {  	p0 =	seq.s32 s10, $0x1;
	s10 =	sld [smem:$0x3FB3];
	_ =	sdelay $0x3  }
0x34: {  	[smem:$0x3FB3] =	sst s10  }
0x35: {  	s10 =	sld [smem:$0x3FB2];
	_ =	sdelay $0x3  }
0x36: {  	p1 =	seq.s32 s10, $0x1;
	s10 =	sld [smem:$0x3FB3];
	_ =	sdelay $0x3  }
0x37: {  	[smem:$0x3FB3] =	sst s10  }
0x38: {  	s10 =	sld [smem:$0x3FB4]  }
0x39: {  	_ = 	snop;
	(pc) =	sbr.ind lr, $3  }
0x3a: {  	_ = 	snop  }
0x3b: {  	_ = 	snop  }
0x3c: {  	p2 =	seq.s32 s10, $0x1;
	s10 =	sld [smem:$0x3FB3]  }
0x3d: {  	_ =	shalt  }
0x3e: {  	_ =	shalt  }
0x3f: {  	_ =	shalt  }
0x40: {  	_ =	shalt  }
0x41: {  	_ =	shalt  }
0x42: {  	_ =	shalt  }
0x43: {  	_ =	shalt  }
0x44: {  	_ =	shalt  }
0x45: {  	_ =	shalt  }
0x46: {  	_ =	shalt  }
0x47: {  	_ =	shalt  }
0x48: {  	_ =	shalt  }
0x49: {  	_ =	shalt  }
0x4a: {  	_ =	shalt  }
0x4b: {  	_ =	shalt  }
0x4c: {  	_ =	shalt  }
0x4d: {  	_ =	shalt  }
0x4e: {  	_ =	shalt  }
0x4f: {  	_ =	shalt  }
0x50: {  	_ =	shalt  }
0x51: {  	_ =	shalt  }
0x52: {  	_ =	shalt  }
0x53: {  	_ =	shalt  }
0x54: {  	_ =	shalt  }
0x55: {  	_ =	shalt  }
0x56: {  	_ =	shalt  }
0x57: {  	_ =	shalt  }
0x58: {  	_ =	shalt  }
0x59: {  	_ =	shalt  }
0x5a: {  	_ =	shalt  }
0x5b: {  	_ =	shalt  }
0x5c: {  	_ =	shalt  }
0x5d: {  	_ =	shalt  }
0x5e: {  	_ =	shalt  }
0x5f: {  	_ =	shalt  }
0x60: {  	_ =	shalt  }
0x61: {  	_ =	shalt  }
0x62: {  	_ =	shalt  }
0x63: {  	_ =	shalt  }
0x64: {  	_ =	shalt  }
0x65: {  	_ =	shalt  }
0x66: {  	_ =	shalt  }
0x67: {  	_ =	shalt  }
0x68: {  	_ =	shalt  }
0x69: {  	_ =	shalt  }
0x6a: {  	_ =	shalt  }
0x6b: {  	_ =	shalt  }
0x6c: {  	_ =	shalt  }
0x6d: {  	_ =	shalt  }
0x6e: {  	_ =	shalt  }
0x6f: {  	_ =	shalt  }
0x70: {  	_ =	shalt  }
0x71: {  	_ =	shalt  }
0x72: {  	_ =	shalt  }
0x73: {  	_ =	shalt  }
0x74: {  	_ =	shalt  }
0x75: {  	_ =	shalt  }
0x76: {  	_ =	shalt  }
0x77: {  	_ =	shalt  }
0x78: {  	_ =	shalt  }
0x79: {  	_ =	shalt  }
0x7a: {  	_ =	shalt  }
0x7b: {  	_ =	shalt  }
0x7c: {  	_ =	shalt  }
0x7d: {  	_ =	shalt  }
0x7e: {  	_ =	shalt  }
0x7f: {  	_ =	shalt  }
0x80: {  	_ =	shalt  }
0x81: {  	_ =	shalt  }
0x82: {  	_ =	shalt  }
0x83: {  	_ =	shalt  }
0x84: {  	_ =	shalt  }
0x85: {  	_ =	shalt  }
0x86: {  	_ =	shalt  }
0x87: {  	_ =	shalt  }
.Lfunc_end0:
.L_simem_size_0:
called_computation.3_lowered:
.L_overlay_start_0:
0x88: {  	s2 =	sld [smem:$0x3FD9]  }
0x89: {  	s3 =	sld [smem:$0x3FFE];
	_ =	sdelay $0x1  }
0x8a: {  	s1 =	srdreg.scid  }
0x8b: {  	s0 =	sand.u32 $0x1, s1  }
0x8c: {  	s17 =	sshll.u32 s0, $0xA;
	s2 =	sadd.s32 s3, s2  }
0x8d: {  	s2 =	sadd.s32 s2, s17  }
0x8e: {  	[smem:$0x3FBF] =	sst s2  }
0x8f: {  	_ = 	snop  }
0x90: {  	s18 =	sld [smem:$0x3FC9]  }
0x91: {  	s4 =	sld [smem:$0x3FD0];
	(tm) =	ssettm $0x1  }
0x92: {  	s19 =	sld [smem:$0x3FFB];
	_ =	sdelay $0x3  }
0x93: {  	_ =	strace s19  }
0x94: {  	s2 =	sld [smem:$0x3FFC];
	_ =	sdelay $0x3  }
0x95: {  	_ =	strace s2  }
0x96: {  	s2 =	sld [smem:$0x3FFD];
	_ =	sdelay $0x3  }
0x97: {  	_ =	strace s2  }
0x98: {  	_ =	strace $0x8FFFFFFF  }
0x99: {  	s20 =	sld [smem:$0x3FDB];
	_ =	sdelay $0x1  }
0x9a: {  	s5 =	simm.s32 $_scs_section_size  }
0x9b: {  	s6 =	simm.s32 $_size__tile_overlayer_lowered;
	s7 =	simm.s32 $_tile_overlayer_lowered  }
0x9c: {  	s8 =	simm.s32 $0x1BFF;
	s21 =	sshll.u32 s7, $0x1;
	s5 =	sadd.s32 s5, s20  }
0x9d: {  	s22 =	simm.s32 $0x0;
	s6 =	sshll.u32 s6, $0x1;
	s7 =	sadd.s32 s21, s5  }
0x9e: {  	[timem:s22], [sflag:s8] =	dma.local [hbm:s7], s6  }
0x9f: {  	_ =	swait.ge [sflag:s8], s6  }
0xa0: {  	s6 =	ssub.s32 $0x0, s6;
	[sflag:s8] =	ssyncset.done $0x0  }
0xa1: {  	[sflag:s8] =	ssyncadd.s32 s6;
	_ =	sdelay $0x1  }
0xa2: {  	s23 =	simm.s32 $0x1B8B  }
0xa3: {  	_ =	swait.ge [sflag:s23], $0x1  }
0xa4: {  	[sflag:s23] =	ssyncset.done $0x0  }
0xa5: {  	[sflag:s23] =	ssyncadd.s32 $0xFFFFFFFF  }
0xa6: {  	s6 =	sld [smem:$0x0]  }
0xa7: {  	s7 =	sand.u32 $0xFFFFFFFE, s1  }
0xa8: {  	p0 =	sne.s32 s1, s7  }
0xa9: {  	s7 =	sshll.u32 @p0 s7, $0xE  }
0xaa: {  	s7 =	sadd.s32 @p0 $0x11B8D, s7;
	s8 =	sshll.u32 @p0 s6, $0x11  }
0xab: {  	s7 =	sor.u32 @p0 s8, s7  }
0xac: {  	[sflag:s7] =	ssyncadd.remote.s32 @p0 $0x1;
	_ =	sdelay $0x1  }
0xad: {  	s7 =	simm.s32 @p0 $0x1B8D  }
0xae: {  	_ =	swait.eq @p0 [sflag:s7], $0x1  }
0xaf: {  	[sflag:s7] =	ssyncadd.s32 @p0 $0xFFFFFFFF  }
0xb0: {  	s8 =	sshll.u32 @!p0 s1, $0xE  }
0xb1: {  	s8 =	sor.u32 @!p0 $0x4000, s8;
	s7 =	simm.s32 @!p0 $0x1B8D  }
0xb2: {  	s6 =	sshll.u32 @!p0 s6, $0x11;
	s8 =	sadd.s32 @!p0 $0x11B8D, s8;
	_ =	swait.eq @!p0 [sflag:s7], $0x1  }
0xb3: {  	s6 =	sor.u32 @!p0 s6, s8;
	[sflag:s7] =	ssyncadd.s32 @!p0 $0xFFFFFFFF  }
0xb4: {  	s25 =	simm.s32 $0x1B8E;
	s24 =	sld [smem:$0x3FFE];
	[sflag:s6] =	ssyncadd.remote.s32 @!p0 $0x1  }
0xb5: {  	s26 =	simm.s32 $execute0_lowered;
	[smem:$0x3FD2] =	sst s25  }
0xb6: {  	s7 =	sshll.u32 s26, $0x1;
	_ =	strace $0x8000004F;
	[dreg:$0x1] =	wrdreg $0xFFFFFFFF  }
0xb7: {  	s28 =	simm.s32 $_size_execute0_lowered;
	s5 =	sadd.s32 s5, s7;
	[dreg:$0x0] =	wrdreg $0x0  }
0xb8: {  	s7 =	sshll.u32 s28, $0x1;
	[dreg:$0x2] =	wrdreg s5  }
0xb9: {  	[dreg:$0x3] =	wrdreg s7  }
0xba: {  	[dreg:$0x4] =	wrdreg $0xC0  }
0xbb: {  	_ =	task [dreg:s22], $0x5FFFF  }
0xbc: {  	[dreg:$0x1] =	wrdreg $0xFFFFFFFF  }
0xbd: {  	[dreg:$0x0] =	wrdreg $0x60  }
0xbe: {  	[dreg:$0x2] =	wrdreg s4  }
0xbf: {  	[dreg:$0x3] =	wrdreg s18  }
0xc0: {  	[dreg:$0x4] =	wrdreg s24  }
0xc1: {  	[dreg:$0x5] =	wrdreg $0xA  }
0xc2: {  	_ =	task.clear_ibuf [dreg:s22], $0x6FFFF;
	_ =	strace $0x9000004F  }
0xc3: {  	s29 =	simm.s32 $0xA;
	_ =	strace $0x80000051  }
0xc4: {  	_ =	swait.ge [sflag:s29], $0x1  }
0xc5: {  	[sflag:s29] =	ssyncadd.s32 $0xFFFFFFFF  }
0xc6: {  	_ =	strace $0x90000051  }
0xc7: {  	_ =	sfence  }
0xc8: {  	s30 =	sld [smem:$0x0];
	_ =	sdelay $0x2  }
0xc9: {  	s31 =	sshll.u32 s1, $0xD;
	s1 =	sshrl.u32 s1, $0x2  }
0xca: {  	s4 =	sand.u32 $0x4000, s31;
	s1 =	sadd.s32 s1, s30  }
0xcb: {  	s0 =	sor.u32 s4, s0;
	s1 =	sshll.u32 s1, $0x11  }
0xcc: {  	s0 =	sor.u32 s1, s0  }
0xcd: {  	s0 =	sadd.s32 $0x8F2B, s0  }
0xce: {  	[sflag:s0] =	ssyncadd.remote.s32 $0x1  }
0xcf: {  	_ =	sfence.sel $0xFFFF  }
0xd0: {  	[dreg:$0x0] =	wrdreg $0xFFFFFFFF;
	(pc) =	sbr.abs _section_cstart, $3  }
0xd1: {  	[dreg:$0x1] =	wrdreg $0xFFFFFFFF  }
0xd2: {  	_ =	task.clear_ibuf [dreg:s22], $0x2FFFF;
	_ =	strace $0x9FFFFFFF  }
0xd3: {  	(tm) =	ssettm $0x7FFFFFFF  }
tec
execute0_lowered:
.L_overlay_start_1:
0x0: {  	(tag) =	ssettag $0x1  }
0x1: {  	s1 =	rddreg [dreg:$0x0]  }
0x2: {  	s7 =	stileid.u32;
	s2 =	rddreg [dreg:$0x1]  }
0x3: {  	s6 =	rddreg [dreg:$0x2];
	s3 =	simm.s32 $0x0;
	s4 =	smul.u32 $0x700, s7  }
0x4: {  	[smem:$0x7FF] =	sst s3;
	s26 =	smul.u32 $0x70000, s7;
	s7 =	simm.s32 $0x880  }
0x5: {  	s8 =	simm.s32 $0x1080;
	_ =	strace $0x80000050;
	[dreg:$0x5] =	wrdreg s7  }
0x6: {  	s10 =	simm.s32 $0x1880;
	[dreg:$0x6] =	wrdreg s8  }
0x7: {  	s13 =	simm.s32 $0x2080;
	[dreg:$0x7] =	wrdreg s10  }
0x8: {  	s0 =	srdreg.scid;
	s14 =	simm.s32 $0x2880;
	[dreg:$0x8] =	wrdreg s13  }
0x9: {  	s15 =	simm.s32 $0x3080;
	s16 =	simm.s32 $0x3880;
	[dreg:$0x9] =	wrdreg s14  }
0xa: {  	s17 =	simm.s32 $0x4080;
	s18 =	simm.s32 $0x4880;
	[dreg:$0xa] =	wrdreg s15  }
0xb: {  	s19 =	simm.s32 $0x5080;
	s20 =	simm.s32 $0x5880;
	[dreg:$0xb] =	wrdreg s16  }
0xc: {  	s21 =	simm.s32 $0x6080;
	s22 =	simm.s32 $0x6880;
	[dreg:$0xc] =	wrdreg s17  }
0xd: {  	s23 =	simm.s32 $0x7080;
	s24 =	simm.s32 $0x7880;
	[dreg:$0xd] =	wrdreg s18  }
0xe: {  	s25 =	simm.s32 $0x8080;
	s28 =	simm.s32 $0xF080;
	[dreg:$0xe] =	wrdreg s19  }
0xf: {  	s29 =	simm.s32 $0xF880;
	s30 =	simm.s32 $0x1;
	[dreg:$0xf] =	wrdreg s20  }
0x10: {  	s31 =	simm.s32 $0x0;
	s0 =	sand.u32 $0x1, s0;
	[dreg:$0x10] =	wrdreg s21  }
0x11: {  	s5 =	smul.u32 $0x380, s0;
	s9 =	ssub.s32 $0x2, s0;
	[dreg:$0x11] =	wrdreg s22  }
0x12: {  	s7 =	sadd.s32 $0x400, s2;
	s8 =	sadd.s32 $0x500, s2;
	[dreg:$0x12] =	wrdreg s23  }
0x13: {  	s10 =	sadd.s32 $0x700, s2;
	s0 =	smul.u32 $0x38000, s0;
	[dreg:$0x13] =	wrdreg s24  }
0x14: {  	s13 =	simm.s32 $0x2;
	[dreg:$0x14] =	wrdreg s25;
	s14 =	simm.s32 $0x80  }
0x15: {  	s15 =	simm.s32 $0x9080;
	s16 =	simm.s32 $0x9880;
	s17 =	simm.s32 $0xA080  }
0x16: {  	s18 =	simm.s32 $0xA880;
	s19 =	simm.s32 $0xB080;
	s20 =	simm.s32 $0xB880  }
0x17: {  	s21 =	simm.s32 $0xC080;
	s22 =	simm.s32 $0xC880;
	s23 =	simm.s32 $0xD080  }
0x18: {  	s24 =	simm.s32 $0xD880;
	s25 =	simm.s32 $0xE080;
	s12 =	sadd.s32 s26, s6  }
0x19: {  	s11 =	sshrl.u32 s9, $0x1;
	s6 =	sadd.s32 $0x300, s2;
	s26 =	simm.s32 $0x8880  }
0x1a: {  	s4 =	sadd.s32 s5, s4;
	s11 =	ssub.s32 s9, s11;
	s5 =	sadd.s32 $0x200, s2  }
0x1b: {  	s0 =	sadd.s32 s0, s12;
	[dreg:$0x15] =	wrdreg s26;
	s11 =	smax.u32 s11, $0x1  }
0x1c: {  	v2 =	vlaneseq.u32;
	s4 =	sshrl.u32 s4, $0x3;
	s0 =	sadd.s32 $0x9A00, s0;
	[dreg:$0x16] =	wrdreg s11  }
0x1d: {  	vm0 =	vmmov $0xffff;
	v1 =	vshrl.u32 v2, $0x3;
	s9 =	sadd.s32 $0x600, s2;
	s1 =	sadd.s32 s4, s1;
	[dreg:$0x17] =	wrdreg s0  }
0x1e: {  	v0 =	vand.u32 $0x7, v2;
	v2 =	vor.u32 $0x8, v2;
	v1 =	vmul.u32 $0x8, v1;
	s26 =	simm.s32 $0xE880;
	s4 =	sadd.s32 $0x100, s2;
	[dreg:$0x4] =	wrdreg s1  }
.LBB2_1:
0x1f: {  	s12 =	rddreg [dreg:$0x17];
	s0 =	simm.s32 $0x0  }
.LBB2_2:
0x20: {  	s11 =	rddreg [dreg:$0x4]  }
0x21: {  	s11 =	sadd.s32 s0, s11  }
0x22: {  	[tilespmem:s3], [sflag:$0x2] =	stream.linear.gather [hbm4b:s11+s3], $0x20, $0x38;
	[tilespmem:$0x10080] =	vst v63  }
0x23: {  	_ =	swait.ge [sflag:s13], $0x20  }
0x24: {  	[sflag:s13] =	ssyncset.done $0x0  }
0x25: {  	[sflag:s13] =	ssyncadd.s32 $0xFFFFFFE0  }
0x26: {  	v3 =	vld [tilespmem:$0x0];
	_ =	sdelay $0x4  }
0x27: {  	v4 =	vshll.u32 v3, $0x4  }
0x28: {  	v3 =	vand.u32 $0x7, v3;
	v4 =	vand.u32 $0xFFFFFF80, v4  }
0x29: {  	v3 =	vor.u32 v3, v4  }
0x2a: {  	v4 =	vperm.xlane v3, v0;
	_ =	sdelay $0x1  }
0x2b: {  	v4 =	vadd.s32 v1, v4;
	_ =	sdelay $0x4  }
0x2c: {  	[tilespmem:s14], [sflag:$0x1] =	stream.indirect_vreg.gather [hbm4b:s2+s3], $0x80, v4, vm0, $0xb8;
	[tilespmem:$0x10080] =	vst v63  }
0x2d: {  	s11 =	rddreg [dreg:$0x5]  }
0x2e: {  	[tilespmem:s11], [sflag:$0x1] =	stream.indirect_vreg.gather [hbm4b:s4+s3], $0x80, v4, vm0, $0xb8;
	[tilespmem:$0x10080] =	vst v63  }
0x2f: {  	s1 =	rddreg [dreg:$0x6]  }
0x30: {  	[tilespmem:s1], [sflag:$0x1] =	stream.indirect_vreg.gather [hbm4b:s5+s3], $0x80, v4, vm0, $0xb8;
	[tilespmem:$0x10080] =	vst v63  }
0x31: {  	s11 =	rddreg [dreg:$0x7]  }
0x32: {  	[tilespmem:s11], [sflag:$0x1] =	stream.indirect_vreg.gather [hbm4b:s6+s3], $0x80, v4, vm0, $0xb8;
	[tilespmem:$0x10080] =	vst v63  }
0x33: {  	s1 =	rddreg [dreg:$0x8]  }
0x34: {  	[tilespmem:s1], [sflag:$0x1] =	stream.indirect_vreg.gather [hbm4b:s7+s3], $0x80, v4, vm0, $0xb8;
	[tilespmem:$0x10080] =	vst v63  }
0x35: {  	v3 =	vperm.xlane v3, v2;
	s11 =	rddreg [dreg:$0x9]  }
0x36: {  	[tilespmem:s11], [sflag:$0x1] =	stream.indirect_vreg.gather [hbm4b:s8+s3], $0x80, v4, vm0, $0xb8;
	[tilespmem:$0x10080] =	vst v63  }
0x37: {  	v3 =	vadd.s32 v1, v3;
	s1 =	rddreg [dreg:$0xa]  }
0x38: {  	[tilespmem:s1], [sflag:$0x1] =	stream.indirect_vreg.gather [hbm4b:s9+s3], $0x80, v4, vm0, $0xb8;
	[tilespmem:$0x10080] =	vst v63  }
0x39: {  	s11 =	rddreg [dreg:$0xb]  }
0x3a: {  	[tilespmem:s11], [sflag:$0x1] =	stream.indirect_vreg.gather [hbm4b:s10+s3], $0x80, v4, vm0, $0xb8;
	[tilespmem:$0x10080] =	vst v63  }
0x3b: {  	s1 =	rddreg [dreg:$0xc]  }
0x3c: {  	[tilespmem:s1], [sflag:$0x1] =	stream.indirect_vreg.gather [hbm4b:s2+s3], $0x80, v3, vm0, $0xb8;
	[tilespmem:$0x10080] =	vst v63  }
0x3d: {  	s11 =	rddreg [dreg:$0xd]  }
0x3e: {  	[tilespmem:s11], [sflag:$0x1] =	stream.indirect_vreg.gather [hbm4b:s4+s3], $0x80, v3, vm0, $0xb8;
	[tilespmem:$0x10080] =	vst v63  }
0x3f: {  	s1 =	rddreg [dreg:$0xe]  }
0x40: {  	[tilespmem:s1], [sflag:$0x1] =	stream.indirect_vreg.gather [hbm4b:s5+s3], $0x80, v3, vm0, $0xb8;
	[tilespmem:$0x10080] =	vst v63  }
0x41: {  	s11 =	rddreg [dreg:$0xf]  }
0x42: {  	[tilespmem:s11], [sflag:$0x1] =	stream.indirect_vreg.gather [hbm4b:s6+s3], $0x80, v3, vm0, $0xb8;
	[tilespmem:$0x10080] =	vst v63  }
0x43: {  	s1 =	rddreg [dreg:$0x10]  }
0x44: {  	[tilespmem:s1], [sflag:$0x1] =	stream.indirect_vreg.gather [hbm4b:s7+s3], $0x80, v3, vm0, $0xb8;
	[tilespmem:$0x10080] =	vst v63  }
0x45: {  	s11 =	rddreg [dreg:$0x11]  }
0x46: {  	[tilespmem:s11], [sflag:$0x1] =	stream.indirect_vreg.gather [hbm4b:s8+s3], $0x80, v3, vm0, $0xb8;
	[tilespmem:$0x10080] =	vst v63  }
0x47: {  	s1 =	rddreg [dreg:$0x12]  }
0x48: {  	[tilespmem:s1], [sflag:$0x1] =	stream.indirect_vreg.gather [hbm4b:s9+s3], $0x80, v3, vm0, $0xb8;
	[tilespmem:$0x10080] =	vst v63  }
0x49: {  	s11 =	rddreg [dreg:$0x13]  }
0x4a: {  	[tilespmem:s11], [sflag:$0x1] =	stream.indirect_vreg.gather [hbm4b:s10+s3], $0x80, v3, vm0, $0xb8;
	[tilespmem:$0x10080] =	vst v63  }
0x4b: {  	v3 =	vld [tilespmem:$0x10];
	_ =	sdelay $0x4  }
0x4c: {  	v63 =	vshll.u32 v3, $0x4  }
0x4d: {  	v3 =	vand.u32 $0x7, v3;
	v4 =	vand.u32 $0xFFFFFF80, v63  }
0x4e: {  	v3 =	vor.u32 v3, v4  }
0x4f: {  	v4 =	vperm.xlane v3, v0;
	_ =	sdelay $0x1  }
0x50: {  	v4 =	vadd.s32 v1, v4;
	_ =	sdelay $0x3  }
0x51: {  	s1 =	rddreg [dreg:$0x14]  }
0x52: {  	[tilespmem:s1], [sflag:$0x1] =	stream.indirect_vreg.gather [hbm4b:s2+s3], $0x80, v4, vm0, $0xb8;
	[tilespmem:$0x10080] =	vst v63  }
0x53: {  	s11 =	rddreg [dreg:$0x15]  }
0x54: {  	[tilespmem:s11], [sflag:$0x1] =	stream.indirect_vreg.gather [hbm4b:s4+s3], $0x80, v4, vm0, $0xb8;
	[tilespmem:$0x10080] =	vst v63  }
0x55: {  	_ = 	snop  }
0x56: {  	[tilespmem:s15], [sflag:$0x1] =	stream.indirect_vreg.gather [hbm4b:s5+s3], $0x80, v4, vm0, $0xb8;
	[tilespmem:$0x10080] =	vst v63  }
0x57: {  	_ = 	snop  }
0x58: {  	[tilespmem:s16], [sflag:$0x1] =	stream.indirect_vreg.gather [hbm4b:s6+s3], $0x80, v4, vm0, $0xb8;
	[tilespmem:$0x10080] =	vst v63  }
0x59: {  	_ = 	snop  }
0x5a: {  	[tilespmem:s17], [sflag:$0x1] =	stream.indirect_vreg.gather [hbm4b:s7+s3], $0x80, v4, vm0, $0xb8;
	[tilespmem:$0x10080] =	vst v63  }
0x5b: {  	v3 =	vperm.xlane v3, v2  }
0x5c: {  	[tilespmem:s18], [sflag:$0x1] =	stream.indirect_vreg.gather [hbm4b:s8+s3], $0x80, v4, vm0, $0xb8;
	[tilespmem:$0x10080] =	vst v63  }
0x5d: {  	v3 =	vadd.s32 v1, v3  }
0x5e: {  	[tilespmem:s19], [sflag:$0x1] =	stream.indirect_vreg.gather [hbm4b:s9+s3], $0x80, v4, vm0, $0xb8;
	[tilespmem:$0x10080] =	vst v63  }
0x5f: {  	_ = 	snop  }
0x60: {  	[tilespmem:s20], [sflag:$0x1] =	stream.indirect_vreg.gather [hbm4b:s10+s3], $0x80, v4, vm0, $0xb8;
	[tilespmem:$0x10080] =	vst v63  }
0x61: {  	_ = 	snop  }
0x62: {  	[tilespmem:s21], [sflag:$0x1] =	stream.indirect_vreg.gather [hbm4b:s2+s3], $0x80, v3, vm0, $0xb8;
	[tilespmem:$0x10080] =	vst v63  }
0x63: {  	_ = 	snop  }
0x64: {  	[tilespmem:s22], [sflag:$0x1] =	stream.indirect_vreg.gather [hbm4b:s4+s3], $0x80, v3, vm0, $0xb8;
	[tilespmem:$0x10080] =	vst v63  }
0x65: {  	_ = 	snop  }
0x66: {  	[tilespmem:s23], [sflag:$0x1] =	stream.indirect_vreg.gather [hbm4b:s5+s3], $0x80, v3, vm0, $0xb8;
	[tilespmem:$0x10080] =	vst v63  }
0x67: {  	_ = 	snop  }
0x68: {  	[tilespmem:s24], [sflag:$0x1] =	stream.indirect_vreg.gather [hbm4b:s6+s3], $0x80, v3, vm0, $0xb8;
	[tilespmem:$0x10080] =	vst v63  }
0x69: {  	_ = 	snop  }
0x6a: {  	[tilespmem:s25], [sflag:$0x1] =	stream.indirect_vreg.gather [hbm4b:s7+s3], $0x80, v3, vm0, $0xb8;
	[tilespmem:$0x10080] =	vst v63  }
0x6b: {  	_ = 	snop  }
0x6c: {  	[tilespmem:s26], [sflag:$0x1] =	stream.indirect_vreg.gather [hbm4b:s8+s3], $0x80, v3, vm0, $0xb8;
	[tilespmem:$0x10080] =	vst v63  }
0x6d: {  	_ = 	snop  }
0x6e: {  	[tilespmem:s28], [sflag:$0x1] =	stream.indirect_vreg.gather [hbm4b:s9+s3], $0x80, v3, vm0, $0xb8;
	[tilespmem:$0x10080] =	vst v63  }
0x6f: {  	_ = 	snop  }
0x70: {  	[tilespmem:s29], [sflag:$0x1] =	stream.indirect_vreg.gather [hbm4b:s10+s3], $0x80, v3, vm0, $0xb8;
	[tilespmem:$0x10080] =	vst v63  }
0x71: {  	_ =	swait.ge [sflag:s30], $0x10000  }
0x72: {  	p0 =	sne.s32 s0, $0x6C;
	[sflag:s30] =	ssyncset.done $0x0  }
.Ltmp0:
0x73: {  	[sflag:s30] =	ssyncadd.s32 $0xFFFF0000;
	(pc) =	sbr.rel @p0 .LBB2_2-.Ltmp0, $4  }
0x74: {  	[hbm4b:s12+s3] =	stream.linear.scatter [tilespmem:s14], [sflag:$0x2], $0x10000, $0x38;
	[tilespmem:$0x10080] =	vst v63  }
0x75: {  	_ =	swait.ge [sflag:s13], $0x10000  }
0x76: {  	[sflag:s13] =	ssyncset.done $0x0  }
0x77: {  	s0 =	sadd.s32 $0x4, s0;
	s12 =	sadd.s32 $0x2000, s12;
	[sflag:s13] =	ssyncadd.s32 $0xFFFF0000  }
0x78: {  	s31 =	sadd.s32 $0x1, s31;
	s0 =	rddreg [dreg:$0x16]  }
0x79: {  	p0 =	sne.s32 s31, s0  }
.Ltmp1:
0x7a: {  	_ = 	snop;
	(pc) =	sbr.rel @p0 .LBB2_1-.Ltmp1, $1  }
0x7b: {  	_ =	sdelay $0x3  }
0x7c: {  	_ =	sfence.sel $0x180000  }
0x7d: {  	[bflag:$0x0] =	sbarrier.arrive $0xFFFF  }
0x7e: {  	_ =	strace $0x90000050  }
0x7f: {  	s0 =	stileid.u32;
	[bflag:$0x2] =	sbarrier.arrive $0xFFFF  }
0x80: {  	p0 =	sne.s32 s0, $0x0;
	s0 =	rddreg [dreg:$0x3]  }
0x81: {  	s0 =	sadd.s32 @!p0 $0x100000, s0  }
0x82: {  	[sflag:s0] =	ssyncadd.tile.s32 @!p0 $0x1;
	_ =	shalt  }
.Lfunc_end2:
_tile_overlayer_lowered:
.L_overlay_start_2:
0x83: {  	(tag) =	ssettag $0x2  }
0x84: {  	s0 =	rddreg [dreg:$0x0];
	s2 =	stileid.u32  }
0x85: {  	s1 =	rddreg [dreg:$0x1];
	p0 =	sne.s32 s2, $0x0  }
0x86: {  	s3 =	rddreg [dreg:$0x2];
	[bflag:$0x3] =	sbarrier.arrive $0xFFFF;
	s2 =	simm.s32 @!p0 $0x1C02  }
0x87: {  	[timem:s3], [sflag:s2] =	dma.local @!p0 [hbm:s0], s1  }
0x88: {  	s0 =	simm.s32 @!p0 $0x2  }
0x89: {  	_ =	swait.ge @!p0 [sflag:s0], s1  }
0x8a: {  	s1 =	ssub.s32 @!p0 $0x0, s1;
	[sflag:s0] =	ssyncset.done @!p0 $0x0  }
0x8b: {  	[sflag:s0] =	ssyncadd.s32 @!p0 s1  }
0x8c: {  	[bflag:$0x3] =	sbarrier.arrive $0xFFFF  }
0x8d: {  	_ =	shalt  }

// kernel: kernel.9.cloned.1.call-start
scs
__scs_entry_jumppad:
0x0: {  	(pc) =	sbr.rel $0x88, $3  }
0x1: {  	(tag) =	ssettag $0x0;
	lr =	simm.s32 $0x1  }
0x2: {  	[smem:$0x3F98] =	sst lr;
	_ =	strace $0xD0000000  }
0x3: {  	_ = 	snop  }
0x4: {  	_ = 	snop  }
0x5: {  	_ = 	snop  }
0x6: {  	_ = 	snop  }
0x7: {  	_ = 	snop  }
__scs_overlays_trampoline_lowered:
0x8: {  	[smem:$0x3FA7] =	sst s0  }
0x9: {  	[smem:$0x3FA8] =	sst s1  }
0xa: {  	[smem:$0x3FA9] =	sst s2  }
0xb: {  	[smem:$0x3FAA] =	sst s3  }
0xc: {  	[smem:$0x3FAB] =	sst s4  }
0xd: {  	[smem:$0x3FAC] =	sst s5  }
0xe: {  	[smem:$0x3FAD] =	sst s6  }
0xf: {  	[smem:$0x3FAE] =	sst s7  }
0x10: {  	[smem:$0x3FAF] =	sst s8  }
0x11: {  	[smem:$0x3FB0] =	sst s9;
	s0 =	simm.s32 @!p0 $0x0  }
0x12: {  	s1 =	sld [smem:$0x3F96];
	s0 =	simm.s32 @p0 $0x1  }
0x13: {  	[smem:$0x3FB1] =	sst s0;
	s0 =	simm.s32 @!p1 $0x0  }
0x14: {  	s2 =	sld [smem:$0x3F95];
	s0 =	simm.s32 @p1 $0x1  }
0x15: {  	[smem:$0x3FB2] =	sst s0;
	s0 =	simm.s32 @!p2 $0x0  }
0x16: {  	s3 =	sld [smem:$0x3FDB];
	s0 =	simm.s32 @p2 $0x1  }
0x17: {  	s4 =	simm.s32 $0x1BF5;
	[smem:$0x3FB4] =	sst s0  }
0x18: {  	s0 =	sld [smem:$0x3F97];
	_ =	swait.ge [sflag:s4], $0x0  }
0x19: {  	s7 =	sld [smem:$0x3F98]  }
0x1a: {  	s8 =	sadd.s32 $0xFFFFE003, lr  }
0x1b: {  	s9 =	sadd.s32 $0xFFFFFEF7, lr;
	s5 =	simm.s32 $0xFFFFFFFF;
	p2 =	slt.u32 s8, $0xFFFFF086  }
0x1c: {  	p1 =	slt.u32 s9, $0xF7A;
	s5 =	simm.s32 @!p2 $0x0  }
0x1d: {  	s5 =	simm.s32 @p1 $0x1;
	p0 =	seq.s32 s7, s2  }
0x1e: {  	s7 =	smul.u32 @!p0 $0xF7A, s2;
	p2 =	seq.s32 @!p0 s5, $0x0  }
0x1f: {  	s9 =	smul.u32 $0xF7A, s1;
	s8 =	simm.s32 @!p0 $0x1BF5;
	p2 =	por !p2, p0  }
0x20: {  	[sflag:s8] =	ssyncset.s32 @!p0 $0xFFFFF086;
	s6 =	sadd.s32 @!p0 s3, s7;
	s7 =	simm.s32 @!p0 $0x108  }
0x21: {  	s3 =	sadd.s32 s3, s9;
	s6 =	sadd.s32 @!p0 $0x88, s6;
	s7 =	simm.s32 @p2 $0x1082  }
0x22: {  	[simem:s7], [sflag:s8] =	dma.local @!p0 [hbm:s6], $0xF7A  }
0x23: {  	s9 =	sor.u32 $0xD0000000, s2;
	s6 =	simm.s32 $0x108;
	_ =	swait.ge @!p0 [sflag:s8], $0x0  }
0x24: {  	s3 =	sadd.s32 $0x88, s3;
	s6 =	simm.s32 @!p1 $0x1082;
	[sflag:s4] =	ssyncset.s32 $0xFFFFF086  }
0x25: {  	[simem:s6], [sflag:s4] =	dma.local [hbm:s3], $0xF7A  }
0x26: {  	[smem:$0x3F98] =	sst s1;
	(tag) =	ssettag s2;
	_ =	strace s9  }
0x27: {  	s1 =	sld [smem:$0x3FA8]  }
0x28: {  	s2 =	sld [smem:$0x3FA9]  }
0x29: {  	s4 =	sld [smem:$0x3FAB]  }
0x2a: {  	p0 =	seq.s32 s5, $0x0;
	s5 =	sld [smem:$0x3FAC]  }
0x2b: {  	s6 =	sld [smem:$0x3FAD]  }
0x2c: {  	s7 =	sld [smem:$0x3FAE]  }
0x2d: {  	s3 =	simm.s32 $0x108;
	s8 =	sld [smem:$0x3FAF]  }
0x2e: {  	s3 =	simm.s32 @!p0 $0x1082;
	s9 =	sld [smem:$0x3FB0]  }
0x2f: {  	lr =	sadd.s32 s0, s3;
	s0 =	sld [smem:$0x3FA7]  }
0x30: {  	s3 =	sld [smem:$0x3FAA]  }
0x31: {  	[smem:$0x3FB3] =	sst s10  }
0x32: {  	s10 =	sld [smem:$0x3FB1];
	_ =	sdelay $0x3  }
0x33: {  	p0 =	seq.s32 s10, $0x1;
	s10 =	sld [smem:$0x3FB3];
	_ =	sdelay $0x3  }
0x34: {  	[smem:$0x3FB3] =	sst s10  }
0x35: {  	s10 =	sld [smem:$0x3FB2];
	_ =	sdelay $0x3  }
0x36: {  	p1 =	seq.s32 s10, $0x1;
	s10 =	sld [smem:$0x3FB3];
	_ =	sdelay $0x3  }
0x37: {  	[smem:$0x3FB3] =	sst s10  }
0x38: {  	s10 =	sld [smem:$0x3FB4]  }
0x39: {  	_ = 	snop;
	(pc) =	sbr.ind lr, $3  }
0x3a: {  	_ = 	snop  }
0x3b: {  	_ = 	snop  }
0x3c: {  	p2 =	seq.s32 s10, $0x1;
	s10 =	sld [smem:$0x3FB3]  }
0x3d: {  	_ =	shalt  }
0x3e: {  	_ =	shalt  }
0x3f: {  	_ =	shalt  }
0x40: {  	_ =	shalt  }
0x41: {  	_ =	shalt  }
0x42: {  	_ =	shalt  }
0x43: {  	_ =	shalt  }
0x44: {  	_ =	shalt  }
0x45: {  	_ =	shalt  }
0x46: {  	_ =	shalt  }
0x47: {  	_ =	shalt  }
0x48: {  	_ =	shalt  }
0x49: {  	_ =	shalt  }
0x4a: {  	_ =	shalt  }
0x4b: {  	_ =	shalt  }
0x4c: {  	_ =	shalt  }
0x4d: {  	_ =	shalt  }
0x4e: {  	_ =	shalt  }
0x4f: {  	_ =	shalt  }
0x50: {  	_ =	shalt  }
0x51: {  	_ =	shalt  }
0x52: {  	_ =	shalt  }
0x53: {  	_ =	shalt  }
0x54: {  	_ =	shalt  }
0x55: {  	_ =	shalt  }
0x56: {  	_ =	shalt  }
0x57: {  	_ =	shalt  }
0x58: {  	_ =	shalt  }
0x59: {  	_ =	shalt  }
0x5a: {  	_ =	shalt  }
0x5b: {  	_ =	shalt  }
0x5c: {  	_ =	shalt  }
0x5d: {  	_ =	shalt  }
0x5e: {  	_ =	shalt  }
0x5f: {  	_ =	shalt  }
0x60: {  	_ =	shalt  }
0x61: {  	_ =	shalt  }
0x62: {  	_ =	shalt  }
0x63: {  	_ =	shalt  }
0x64: {  	_ =	shalt  }
0x65: {  	_ =	shalt  }
0x66: {  	_ =	shalt  }
0x67: {  	_ =	shalt  }
0x68: {  	_ =	shalt  }
0x69: {  	_ =	shalt  }
0x6a: {  	_ =	shalt  }
0x6b: {  	_ =	shalt  }
0x6c: {  	_ =	shalt  }
0x6d: {  	_ =	shalt  }
0x6e: {  	_ =	shalt  }
0x6f: {  	_ =	shalt  }
0x70: {  	_ =	shalt  }
0x71: {  	_ =	shalt  }
0x72: {  	_ =	shalt  }
0x73: {  	_ =	shalt  }
0x74: {  	_ =	shalt  }
0x75: {  	_ =	shalt  }
0x76: {  	_ =	shalt  }
0x77: {  	_ =	shalt  }
0x78: {  	_ =	shalt  }
0x79: {  	_ =	shalt  }
0x7a: {  	_ =	shalt  }
0x7b: {  	_ =	shalt  }
0x7c: {  	_ =	shalt  }
0x7d: {  	_ =	shalt  }
0x7e: {  	_ =	shalt  }
0x7f: {  	_ =	shalt  }
0x80: {  	_ =	shalt  }
0x81: {  	_ =	shalt  }
0x82: {  	_ =	shalt  }
0x83: {  	_ =	shalt  }
0x84: {  	_ =	shalt  }
0x85: {  	_ =	shalt  }
0x86: {  	_ =	shalt  }
0x87: {  	_ =	shalt  }
.Lfunc_end0:
.L_simem_size_0:
called_computation.4_lowered:
.L_overlay_start_0:
0x88: {  	s2 =	sld [smem:$0x3FD9]  }
0x89: {  	s3 =	sld [smem:$0x3FFE];
	_ =	sdelay $0x1  }
0x8a: {  	s1 =	srdreg.scid  }
0x8b: {  	s0 =	sand.u32 $0x1, s1  }
0x8c: {  	s17 =	sshll.u32 s0, $0xA;
	s2 =	sadd.s32 s3, s2  }
0x8d: {  	s2 =	sadd.s32 s2, s17  }
0x8e: {  	[smem:$0x3FBF] =	sst s2  }
0x8f: {  	_ = 	snop  }
0x90: {  	s2 =	sld [smem:$0x3FD0];
	(tm) =	ssettm $0x1  }
0x91: {  	s18 =	sld [smem:$0x3FFB];
	_ =	sdelay $0x3  }
0x92: {  	_ =	strace s18  }
0x93: {  	s3 =	sld [smem:$0x3FFC];
	_ =	sdelay $0x3  }
0x94: {  	_ =	strace s3  }
0x95: {  	s3 =	sld [smem:$0x3FFD];
	_ =	sdelay $0x3  }
0x96: {  	_ =	strace s3  }
0x97: {  	_ =	strace $0x8FFFFFFF  }
0x98: {  	s19 =	sld [smem:$0x3FDB];
	_ =	sdelay $0x1  }
0x99: {  	s4 =	simm.s32 $_scs_section_size  }
0x9a: {  	s5 =	simm.s32 $_size__tile_overlayer_lowered;
	s6 =	simm.s32 $_tile_overlayer_lowered  }
0x9b: {  	s22 =	simm.s32 $0x1BFF;
	s21 =	sshll.u32 s6, $0x1;
	s3 =	sadd.s32 s4, s19  }
0x9c: {  	s7 =	simm.s32 $0x0;
	s20 =	sshll.u32 s5, $0x1;
	s5 =	sadd.s32 s21, s3  }
0x9d: {  	[timem:s7], [sflag:s22] =	dma.local [hbm:s5], s20  }
0x9e: {  	_ =	swait.ge [sflag:s22], s20  }
0x9f: {  	s4 =	ssub.s32 $0x0, s20;
	[sflag:s22] =	ssyncset.done $0x0  }
0xa0: {  	[sflag:s22] =	ssyncadd.s32 s4;
	_ =	sdelay $0x1  }
0xa1: {  	s23 =	simm.s32 $0x1B8B  }
0xa2: {  	_ =	swait.ge [sflag:s23], $0x1  }
0xa3: {  	[sflag:s23] =	ssyncset.done $0x0  }
0xa4: {  	s25 =	simm.s32 $0x1B8E;
	s24 =	sld [smem:$0x3FFE];
	[sflag:s23] =	ssyncadd.s32 $0xFFFFFFFF  }
0xa5: {  	s26 =	simm.s32 $execute0_lowered;
	[smem:$0x3FD2] =	sst s25  }
0xa6: {  	s5 =	sshll.u32 s26, $0x1;
	_ =	strace $0x80000052;
	[dreg:$0x1] =	wrdreg $0xFFFFFFFF  }
0xa7: {  	s28 =	simm.s32 $_size_execute0_lowered;
	s3 =	sadd.s32 s3, s5;
	[dreg:$0x0] =	wrdreg $0x0  }
0xa8: {  	s5 =	sshll.u32 s28, $0x1;
	[dreg:$0x2] =	wrdreg s3  }
0xa9: {  	[dreg:$0x3] =	wrdreg s5  }
0xaa: {  	[dreg:$0x4] =	wrdreg $0xC0  }
0xab: {  	_ =	task [dreg:s7], $0x5FFFF  }
0xac: {  	[dreg:$0x1] =	wrdreg $0xFFFFFFFF  }
0xad: {  	[dreg:$0x0] =	wrdreg $0x60  }
0xae: {  	[dreg:$0x2] =	wrdreg s24  }
0xaf: {  	[dreg:$0x3] =	wrdreg s2  }
0xb0: {  	[dreg:$0x4] =	wrdreg $0x9  }
0xb1: {  	_ =	task.clear_ibuf [dreg:s7], $0x5FFFF;
	_ =	strace $0x90000052  }
0xb2: {  	s29 =	simm.s32 $0x9;
	_ =	strace $0x80000054  }
0xb3: {  	_ =	swait.ge [sflag:s29], $0x1  }
0xb4: {  	[sflag:s29] =	ssyncadd.s32 $0xFFFFFFFF  }
0xb5: {  	_ =	strace $0x90000054  }
0xb6: {  	_ =	sfence  }
0xb7: {  	s30 =	sld [smem:$0x0];
	_ =	sdelay $0x2  }
0xb8: {  	s31 =	sshll.u32 s1, $0xD;
	s1 =	sshrl.u32 s1, $0x2  }
0xb9: {  	s3 =	sand.u32 $0x4000, s31;
	s1 =	sadd.s32 s1, s30  }
0xba: {  	s0 =	sor.u32 s3, s0;
	s1 =	sshll.u32 s1, $0x11  }
0xbb: {  	s0 =	sor.u32 s1, s0  }
0xbc: {  	s0 =	sadd.s32 $0x8F2B, s0  }
0xbd: {  	[sflag:s0] =	ssyncadd.remote.s32 $0x1  }
0xbe: {  	_ =	sfence.sel $0xFFFF  }
0xbf: {  	[dreg:$0x0] =	wrdreg $0xFFFFFFFF;
	(pc) =	sbr.abs _section_cstart, $3  }
0xc0: {  	[dreg:$0x1] =	wrdreg $0xFFFFFFFF  }
0xc1: {  	_ =	task.clear_ibuf [dreg:s7], $0x2FFFF;
	_ =	strace $0x9FFFFFFF  }
0xc2: {  	(tm) =	ssettm $0x7FFFFFFF  }
0xc3: {  	_ =	shalt  }
tec
execute0_lowered:
.L_overlay_start_1:
0x0: {  	(tag) =	ssettag $0x1  }
0x1: {  	s0 =	rddreg [dreg:$0x0];
	s2 =	simm.s32 $0x0;
	s1 =	srdreg.scid  }
0x2: {  	s7 =	stileid.u32;
	s16 =	simm.s32 $0x2;
	s20 =	simm.s32 $0x14880  }
0x3: {  	s21 =	simm.s32 $0x15080;
	s22 =	simm.s32 $0x15880;
	s23 =	simm.s32 $0x16080  }
0x4: {  	s24 =	simm.s32 $0x16880;
	s25 =	simm.s32 $0x17080;
	s28 =	simm.s32 $0x1  }
0x5: {  	s29 =	simm.s32 $0x18080;
	[smem:$0x7FF] =	sst s2;
	s4 =	sadd.s32 $0x2800, s0  }
0x6: {  	s1 =	sand.u32 $0x1, s1;
	s5 =	sadd.s32 $0x789A00, s0;
	s6 =	sadd.s32 $0x709A00, s0  }
0x7: {  	s30 =	sshll.u32 s7, $0x7;
	s7 =	sadd.s32 $0x789B00, s0;
	s8 =	sadd.s32 $0x789C00, s0  }
0x8: {  	s9 =	sadd.s32 $0x789D00, s0;
	s10 =	sadd.s32 $0x789E00, s0;
	s26 =	ssub.s32 $0x2, s1  }
0x9: {  	s12 =	sadd.s32 $0x789F00, s0;
	s13 =	sadd.s32 $0x78A000, s0;
	s3 =	sshrl.u32 s26, $0x1  }
0xa: {  	v2 =	vlaneseq.u32;
	s14 =	sadd.s32 $0x78A100, s0;
	s1 =	sshll.u32 s1, $0x6;
	s2 =	ssub.s32 s26, s3  }
0xb: {  	vm0 =	vmmov $0xffff;
	v1 =	vshrl.u32 v2, $0x3;
	_ =	strace $0x80000053;
	s11 =	sor.u32 s1, s30;
	s31 =	smax.u32 s2, $0x1  }
0xc: {  	v0 =	vand.u32 $0x7, v2;
	v2 =	vor.u32 $0x8, v2;
	v1 =	vmul.u32 $0x8, v1;
	s1 =	simm.s32 $0x0;
	s26 =	simm.s32 $0x17880;
	[dreg:$0x3] =	wrdreg s31  }
.LBB2_1:
0xd: {  	[dreg:$0x4] =	wrdreg s1;
	s30 =	simm.s32 $0x0  }
.LBB2_2:
0xe: {  	s0 =	sshll.u32 s30, $0x3  }
0xf: {  	s0 =	sadd.s32 s11, s0  }
0x10: {  	s1 =	smul.u32 $0x6, s0;
	_ =	sdelay $0x1  }
0x11: {  	s1 =	sshrl.u32 s1, $0x3  }
0x12: {  	s31 =	simm.s32 $0x0;
	s1 =	sadd.s32 s4, s1  }
0x13: {  	[tilespmem:s31], [sflag:$0x2] =	stream.linear.gather [hbm4b:s1+s31], $0x30, $0x38;
	[tilespmem:$0x1C080] =	vst v63  }
0x14: {  	_ =	swait.ge [sflag:s16], $0x30  }
0x15: {  	[sflag:s16] =	ssyncset.done $0x0  }
0x16: {  	[sflag:s16] =	ssyncadd.s32 $0xFFFFFFD0  }
0x17: {  	v3 =	vld [tilespmem:$0x0];
	_ =	sdelay $0x4  }
0x18: {  	v4 =	vshll.u32 v3, $0x4  }
0x19: {  	v3 =	vand.u32 $0x7, v3;
	v4 =	vand.u32 $0xFFFFFF80, v4  }
0x1a: {  	v3 =	vor.u32 v3, v4  }
0x1b: {  	v4 =	vperm.xlane v3, v0;
	_ =	sdelay $0x1  }
0x1c: {  	v4 =	vadd.s32 v1, v4;
	_ =	sdelay $0x3  }
0x1d: {  	s17 =	simm.s32 $0x80  }
0x1e: {  	[tilespmem:s17], [sflag:$0x1] =	stream.indirect_vreg.gather [hbm4b:s5+s31], $0x80, v4, vm0, $0xb8;
	[tilespmem:$0x1C080] =	vst v63  }
0x1f: {  	s18 =	simm.s32 $0x880  }
0x20: {  	[tilespmem:s18], [sflag:$0x1] =	stream.indirect_vreg.gather [hbm4b:s7+s31], $0x80, v4, vm0, $0xb8;
	[tilespmem:$0x1C080] =	vst v63  }
0x21: {  	s19 =	simm.s32 $0x1080  }
0x22: {  	[tilespmem:s19], [sflag:$0x1] =	stream.indirect_vreg.gather [hbm4b:s8+s31], $0x80, v4, vm0, $0xb8;
	[tilespmem:$0x1C080] =	vst v63  }
0x23: {  	s2 =	simm.s32 $0x1880  }
0x24: {  	[tilespmem:s2], [sflag:$0x1] =	stream.indirect_vreg.gather [hbm4b:s9+s31], $0x80, v4, vm0, $0xb8;
	[tilespmem:$0x1C080] =	vst v63  }
0x25: {  	s3 =	simm.s32 $0x2080  }
0x26: {  	[tilespmem:s3], [sflag:$0x1] =	stream.indirect_vreg.gather [hbm4b:s10+s31], $0x80, v4, vm0, $0xb8;
	[tilespmem:$0x1C080] =	vst v63  }
0x27: {  	s15 =	simm.s32 $0x2880;
	v3 =	vperm.xlane v3, v2  }
0x28: {  	[tilespmem:s15], [sflag:$0x1] =	stream.indirect_vreg.gather [hbm4b:s12+s31], $0x80, v4, vm0, $0xb8;
	[tilespmem:$0x1C080] =	vst v63  }
0x29: {  	v3 =	vadd.s32 v1, v3;
	s17 =	simm.s32 $0x3080  }
0x2a: {  	[tilespmem:s17], [sflag:$0x1] =	stream.indirect_vreg.gather [hbm4b:s13+s31], $0x80, v4, vm0, $0xb8;
	[tilespmem:$0x1C080] =	vst v63  }
0x2b: {  	s18 =	simm.s32 $0x3880  }
0x2c: {  	[tilespmem:s18], [sflag:$0x1] =	stream.indirect_vreg.gather [hbm4b:s14+s31], $0x80, v4, vm0, $0xb8;
	[tilespmem:$0x1C080] =	vst v63  }
0x2d: {  	s19 =	simm.s32 $0x4080  }
0x2e: {  	[tilespmem:s19], [sflag:$0x1] =	stream.indirect_vreg.gather [hbm4b:s5+s31], $0x80, v3, vm0, $0xb8;
	[tilespmem:$0x1C080] =	vst v63  }
0x2f: {  	s2 =	simm.s32 $0x4880  }
0x30: {  	[tilespmem:s2], [sflag:$0x1] =	stream.indirect_vreg.gather [hbm4b:s7+s31], $0x80, v3, vm0, $0xb8;
	[tilespmem:$0x1C080] =	vst v63  }
0x31: {  	s3 =	simm.s32 $0x5080  }
0x32: {  	[tilespmem:s3], [sflag:$0x1] =	stream.indirect_vreg.gather [hbm4b:s8+s31], $0x80, v3, vm0, $0xb8;
	[tilespmem:$0x1C080] =	vst v63  }
0x33: {  	s15 =	simm.s32 $0x5880  }
0x34: {  	[tilespmem:s15], [sflag:$0x1] =	stream.indirect_vreg.gather [hbm4b:s9+s31], $0x80, v3, vm0, $0xb8;
	[tilespmem:$0x1C080] =	vst v63  }
0x35: {  	s17 =	simm.s32 $0x6080  }
0x36: {  	[tilespmem:s17], [sflag:$0x1] =	stream.indirect_vreg.gather [hbm4b:s10+s31], $0x80, v3, vm0, $0xb8;
	[tilespmem:$0x1C080] =	vst v63  }
0x37: {  	s18 =	simm.s32 $0x6880  }
0x38: {  	[tilespmem:s18], [sflag:$0x1] =	stream.indirect_vreg.gather [hbm4b:s12+s31], $0x80, v3, vm0, $0xb8;
	[tilespmem:$0x1C080] =	vst v63  }
0x39: {  	s19 =	simm.s32 $0x7080  }
0x3a: {  	[tilespmem:s19], [sflag:$0x1] =	stream.indirect_vreg.gather [hbm4b:s13+s31], $0x80, v3, vm0, $0xb8;
	[tilespmem:$0x1C080] =	vst v63  }
0x3b: {  	s2 =	simm.s32 $0x7880  }
0x3c: {  	[tilespmem:s2], [sflag:$0x1] =	stream.indirect_vreg.gather [hbm4b:s14+s31], $0x80, v3, vm0, $0xb8;
	[tilespmem:$0x1C080] =	vst v63  }
0x3d: {  	v3 =	vld [tilespmem:$0x10];
	_ =	sdelay $0x4  }
0x3e: {  	v4 =	vshll.u32 v3, $0x4  }
0x3f: {  	v3 =	vand.u32 $0x7, v3;
	v4 =	vand.u32 $0xFFFFFF80, v4  }
0x40: {  	v3 =	vor.u32 v3, v4  }
0x41: {  	v4 =	vperm.xlane v3, v0;
	_ =	sdelay $0x1  }
0x42: {  	v4 =	vadd.s32 v1, v4;
	_ =	sdelay $0x3  }
0x43: {  	s3 =	simm.s32 $0x8080  }
0x44: {  	[tilespmem:s3], [sflag:$0x1] =	stream.indirect_vreg.gather [hbm4b:s5+s31], $0x80, v4, vm0, $0xb8;
	[tilespmem:$0x1C080] =	vst v63  }
0x45: {  	s15 =	simm.s32 $0x8880  }
0x46: {  	[tilespmem:s15], [sflag:$0x1] =	stream.indirect_vreg.gather [hbm4b:s7+s31], $0x80, v4, vm0, $0xb8;
	[tilespmem:$0x1C080] =	vst v63  }
0x47: {  	s17 =	simm.s32 $0x9080  }
0x48: {  	[tilespmem:s17], [sflag:$0x1] =	stream.indirect_vreg.gather [hbm4b:s8+s31], $0x80, v4, vm0, $0xb8;
	[tilespmem:$0x1C080] =	vst v63  }
0x49: {  	s18 =	simm.s32 $0x9880  }
0x4a: {  	[tilespmem:s18], [sflag:$0x1] =	stream.indirect_vreg.gather [hbm4b:s9+s31], $0x80, v4, vm0, $0xb8;
	[tilespmem:$0x1C080] =	vst v63  }
0x4b: {  	s19 =	simm.s32 $0xA080  }
0x4c: {  	[tilespmem:s19], [sflag:$0x1] =	stream.indirect_vreg.gather [hbm4b:s10+s31], $0x80, v4, vm0, $0xb8;
	[tilespmem:$0x1C080] =	vst v63  }
0x4d: {  	s2 =	simm.s32 $0xA880;
	v3 =	vperm.xlane v3, v2  }
0x4e: {  	[tilespmem:s2], [sflag:$0x1] =	stream.indirect_vreg.gather [hbm4b:s12+s31], $0x80, v4, vm0, $0xb8;
	[tilespmem:$0x1C080] =	vst v63  }
0x4f: {  	v3 =	vadd.s32 v1, v3;
	s3 =	simm.s32 $0xB080  }
0x50: {  	[tilespmem:s3], [sflag:$0x1] =	stream.indirect_vreg.gather [hbm4b:s13+s31], $0x80, v4, vm0, $0xb8;
	[tilespmem:$0x1C080] =	vst v63  }
0x51: {  	s15 =	simm.s32 $0xB880  }
0x52: {  	[tilespmem:s15], [sflag:$0x1] =	stream.indirect_vreg.gather [hbm4b:s14+s31], $0x80, v4, vm0, $0xb8;
	[tilespmem:$0x1C080] =	vst v63  }
0x53: {  	s17 =	simm.s32 $0xC080  }
0x54: {  	[tilespmem:s17], [sflag:$0x1] =	stream.indirect_vreg.gather [hbm4b:s5+s31], $0x80, v3, vm0, $0xb8;
	[tilespmem:$0x1C080] =	vst v63  }
0x55: {  	s18 =	simm.s32 $0xC880  }
0x56: {  	[tilespmem:s18], [sflag:$0x1] =	stream.indirect_vreg.gather [hbm4b:s7+s31], $0x80, v3, vm0, $0xb8;
	[tilespmem:$0x1C080] =	vst v63  }
0x57: {  	s19 =	simm.s32 $0xD080  }
0x58: {  	[tilespmem:s19], [sflag:$0x1] =	stream.indirect_vreg.gather [hbm4b:s8+s31], $0x80, v3, vm0, $0xb8;
	[tilespmem:$0x1C080] =	vst v63  }
0x59: {  	s2 =	simm.s32 $0xD880  }
0x5a: {  	[tilespmem:s2], [sflag:$0x1] =	stream.indirect_vreg.gather [hbm4b:s9+s31], $0x80, v3, vm0, $0xb8;
	[tilespmem:$0x1C080] =	vst v63  }
0x5b: {  	s3 =	simm.s32 $0xE080  }
0x5c: {  	[tilespmem:s3], [sflag:$0x1] =	stream.indirect_vreg.gather [hbm4b:s10+s31], $0x80, v3, vm0, $0xb8;
	[tilespmem:$0x1C080] =	vst v63  }
0x5d: {  	s15 =	simm.s32 $0xE880  }
0x5e: {  	[tilespmem:s15], [sflag:$0x1] =	stream.indirect_vreg.gather [hbm4b:s12+s31], $0x80, v3, vm0, $0xb8;
	[tilespmem:$0x1C080] =	vst v63  }
0x5f: {  	s17 =	simm.s32 $0xF080  }
0x60: {  	[tilespmem:s17], [sflag:$0x1] =	stream.indirect_vreg.gather [hbm4b:s13+s31], $0x80, v3, vm0, $0xb8;
	[tilespmem:$0x1C080] =	vst v63  }
0x61: {  	s18 =	simm.s32 $0xF880  }
0x62: {  	[tilespmem:s18], [sflag:$0x1] =	stream.indirect_vreg.gather [hbm4b:s14+s31], $0x80, v3, vm0, $0xb8;
	[tilespmem:$0x1C080] =	vst v63  }
0x63: {  	v3 =	vld [tilespmem:$0x20];
	_ =	sdelay $0x4  }
0x64: {  	v4 =	vshll.u32 v3, $0x4  }
0x65: {  	v3 =	vand.u32 $0x7, v3;
	v4 =	vand.u32 $0xFFFFFF80, v4  }
0x66: {  	v3 =	vor.u32 v3, v4  }
0x67: {  	v4 =	vperm.xlane v3, v0;
	_ =	sdelay $0x1  }
0x68: {  	v4 =	vadd.s32 v1, v4;
	_ =	sdelay $0x3  }
0x69: {  	s19 =	simm.s32 $0x10080  }
0x6a: {  	[tilespmem:s19], [sflag:$0x1] =	stream.indirect_vreg.gather [hbm4b:s5+s31], $0x80, v4, vm0, $0xb8;
	[tilespmem:$0x1C080] =	vst v63  }
0x6b: {  	s2 =	simm.s32 $0x10880  }
0x6c: {  	[tilespmem:s2], [sflag:$0x1] =	stream.indirect_vreg.gather [hbm4b:s7+s31], $0x80, v4, vm0, $0xb8;
	[tilespmem:$0x1C080] =	vst v63  }
0x6d: {  	s3 =	simm.s32 $0x11080  }
0x6e: {  	[tilespmem:s3], [sflag:$0x1] =	stream.indirect_vreg.gather [hbm4b:s8+s31], $0x80, v4, vm0, $0xb8;
	[tilespmem:$0x1C080] =	vst v63  }
0x6f: {  	s15 =	simm.s32 $0x11880  }
0x70: {  	[tilespmem:s15], [sflag:$0x1] =	stream.indirect_vreg.gather [hbm4b:s9+s31], $0x80, v4, vm0, $0xb8;
	[tilespmem:$0x1C080] =	vst v63  }
0x71: {  	s17 =	simm.s32 $0x12080  }
0x72: {  	[tilespmem:s17], [sflag:$0x1] =	stream.indirect_vreg.gather [hbm4b:s10+s31], $0x80, v4, vm0, $0xb8;
	[tilespmem:$0x1C080] =	vst v63  }
0x73: {  	s18 =	simm.s32 $0x12880;
	v3 =	vperm.xlane v3, v2  }
0x74: {  	[tilespmem:s18], [sflag:$0x1] =	stream.indirect_vreg.gather [hbm4b:s12+s31], $0x80, v4, vm0, $0xb8;
	[tilespmem:$0x1C080] =	vst v63  }
0x75: {  	v3 =	vadd.s32 v1, v3;
	s19 =	simm.s32 $0x13080  }
0x76: {  	[tilespmem:s19], [sflag:$0x1] =	stream.indirect_vreg.gather [hbm4b:s13+s31], $0x80, v4, vm0, $0xb8;
	[tilespmem:$0x1C080] =	vst v63  }
0x77: {  	s2 =	simm.s32 $0x13880  }
0x78: {  	[tilespmem:s2], [sflag:$0x1] =	stream.indirect_vreg.gather [hbm4b:s14+s31], $0x80, v4, vm0, $0xb8;
	[tilespmem:$0x1C080] =	vst v63  }
0x79: {  	s3 =	simm.s32 $0x14080  }
0x7a: {  	[tilespmem:s3], [sflag:$0x1] =	stream.indirect_vreg.gather [hbm4b:s5+s31], $0x80, v3, vm0, $0xb8;
	[tilespmem:$0x1C080] =	vst v63  }
0x7b: {  	_ = 	snop  }
0x7c: {  	[tilespmem:s20], [sflag:$0x1] =	stream.indirect_vreg.gather [hbm4b:s7+s31], $0x80, v3, vm0, $0xb8;
	[tilespmem:$0x1C080] =	vst v63  }
0x7d: {  	_ = 	snop  }
0x7e: {  	[tilespmem:s21], [sflag:$0x1] =	stream.indirect_vreg.gather [hbm4b:s8+s31], $0x80, v3, vm0, $0xb8;
	[tilespmem:$0x1C080] =	vst v63  }
0x7f: {  	_ = 	snop  }
0x80: {  	[tilespmem:s22], [sflag:$0x1] =	stream.indirect_vreg.gather [hbm4b:s9+s31], $0x80, v3, vm0, $0xb8;
	[tilespmem:$0x1C080] =	vst v63  }
0x81: {  	_ = 	snop  }
0x82: {  	[tilespmem:s23], [sflag:$0x1] =	stream.indirect_vreg.gather [hbm4b:s10+s31], $0x80, v3, vm0, $0xb8;
	[tilespmem:$0x1C080] =	vst v63  }
0x83: {  	_ = 	snop  }
0x84: {  	[tilespmem:s24], [sflag:$0x1] =	stream.indirect_vreg.gather [hbm4b:s12+s31], $0x80, v3, vm0, $0xb8;
	[tilespmem:$0x1C080] =	vst v63  }
0x85: {  	_ = 	snop  }
0x86: {  	[tilespmem:s25], [sflag:$0x1] =	stream.indirect_vreg.gather [hbm4b:s13+s31], $0x80, v3, vm0, $0xb8;
	[tilespmem:$0x1C080] =	vst v63  }
0x87: {  	_ = 	snop  }
0x88: {  	[tilespmem:s26], [sflag:$0x1] =	stream.indirect_vreg.gather [hbm4b:s14+s31], $0x80, v3, vm0, $0xb8;
	[tilespmem:$0x1C080] =	vst v63  }
0x89: {  	_ =	swait.ge [sflag:s28], $0x18000  }
0x8a: {  	s0 =	sshll.u32 s0, $0x8;
	[sflag:s28] =	ssyncset.done $0x0  }
0x8b: {  	s15 =	sadd.s32 s6, s0;
	[sflag:s28] =	ssyncadd.s32 $0xFFFE8000  }
0x8c: {  	[tilespmem:s29], [sflag:$0x2] =	stream.linear.gather [hbm4b:s15+s31], $0x4000, $0x38;
	[tilespmem:$0x1C080] =	vst v63  }
0x8d: {  	_ =	swait.ge [sflag:s16], $0x4000  }
0x8e: {  	s17 =	sand.u32 $0x70, s31;
	s2 =	sand.u32 $0x3C00, s31;
	[sflag:s16] =	ssyncset.done $0x0  }
0x8f: {  	s3 =	sor.u32 s17, s2;
	[sflag:s16] =	ssyncadd.s32 $0xFFFFC000  }
0x90: {  	v6 =	vld [tilespmem:s3+$0xC200]  }
0x91: {  	v7 =	vld [tilespmem:s3+$0x10400]  }
0x92: {  	v8 =	vld [tilespmem:s3+$0xC180]  }
0x93: {  	v5 =	vld [tilespmem:s3+$0x8380]  }
0x94: {  	v9 =	vld [tilespmem:s3+$0x4400]  }
0x95: {  	v4 =	vld [tilespmem:s3+$0x4380]  }
0x96: {  	v10 =	vld [tilespmem:s3+$0x8300]  }
0x97: {  	v11 =	vld [tilespmem:s3+$0x8280]  }
0x98: {  	v12 =	vld [tilespmem:s3+$0xC100]  }
0x99: {  	v3 =	vld [tilespmem:s3+$0x4300]  }
0x9a: {  	v13 =	vld [tilespmem:s3+$0x10080]  }
0x9b: {  	v14 =	vld [tilespmem:s3+$0x18100]  }
0x9c: {  	v15 =	vld [tilespmem:s3+$0x18180]  }
0x9d: {  	v16 =	vld [tilespmem:s3+$0x8180]  }
0x9e: {  	v17 =	vld [tilespmem:s3+$0x380]  }
0x9f: {  	v18 =	vld [tilespmem:s3+$0x10380]  }
0xa0: {  	v19 =	vld [tilespmem:s3+$0x8200]  }
0xa1: {  	v20 =	vld [tilespmem:s3+$0xC380]  }
0xa2: {  	v21 =	vld [tilespmem:s3+$0x4280]  }
0xa3: {  	v22 =	vld [tilespmem:s3+$0x18280]  }
0xa4: {  	v23 =	vld [tilespmem:s3+$0xC400]  }
0xa5: {  	v24 =	vld [tilespmem:s3+$0x18200]  }
0xa6: {  	v25 =	vld [tilespmem:s3+$0x100]  }
0xa7: {  	v26 =	vld [tilespmem:s3+$0x10300]  }
0xa8: {  	v27 =	vld [tilespmem:s3+$0x18300]  }
0xa9: {  	v57 =	vld [tilespmem:s3+$0xC080];
	v15 =	vadd.f32 v21, v15  }
0xaa: {  	v58 =	vld [tilespmem:s3+$0x18380];
	v16 =	vadd.f32 v16, v24  }
0xab: {  	v28 =	vld [tilespmem:s3+$0x10280];
	v15 =	vadd.f32 v3, v15  }
0xac: {  	v59 =	vld [tilespmem:s3+$0x80];
	v16 =	vadd.f32 v19, v16  }
0xad: {  	v3 =	vadd.f32 v17, v14;
	v14 =	vadd.f32 v4, v15;
	v15 =	vld [tilespmem:s3+$0x18080]  }
0xae: {  	v60 =	vld [tilespmem:s3+$0x180];
	v11 =	vadd.f32 v11, v16;
	v16 =	vadd.f32 v20, v27  }
0xaf: {  	v61 =	vld [tilespmem:s3+$0x8080];
	v9 =	vadd.f32 v9, v14;
	v14 =	vadd.f32 v57, v22  }
0xb0: {  	v62 =	vld [tilespmem:s3+$0xC280];
	v10 =	vadd.f32 v10, v11;
	v16 =	vadd.f32 v23, v16  }
0xb1: {  	v17 =	vld [tilespmem:s3+$0x200];
	v11 =	vadd.f32 v12, v14;
	v12 =	vadd.f32 v28, v58  }
0xb2: {  	v5 =	vadd.f32 v5, v10;
	v10 =	vld [tilespmem:s3+$0x10100];
	v14 =	vadd.f32 v59, v15  }
0xb3: {  	v4 =	vld [tilespmem:s3+$0x300];
	v13 =	vadd.f32 v13, v16;
	v12 =	vadd.f32 v26, v12  }
0xb4: {  	v8 =	vadd.f32 v8, v11;
	v11 =	vld [tilespmem:s3+$0x280];
	v14 =	vadd.f32 v25, v14  }
0xb5: {  	v9 =	vadd.f32 v61, v9;
	v15 =	vadd.f32 v18, v12;
	v12 =	vld [tilespmem:s3+$0x14080]  }
0xb6: {  	s18 =	sand.u32 $0x7, s31;
	v16 =	vadd.f32 v6, v8;
	v6 =	vld [tilespmem:s3+$0x8400];
	v63 =	vadd.f32 v60, v14  }
0xb7: {  	s19 =	sshll.u32 s18, $0x4;
	v8 =	vadd.f32 v10, v13;
	v10 =	vld [tilespmem:s3+$0x10180];
	v14 =	vadd.f32 v7, v15  }
0xb8: {  	s1 =	simm.s32 $0x10;
	s2 =	simm.s32 $0x0;
	s15 =	sadd.s32 $0x0, s19;
	v13 =	vld [tilespmem:s3+$0x8100];
	v7 =	vadd.f32 v62, v16;
	v15 =	vadd.f32 v17, v63  }
.LBB2_3:
0xb9: {  	p0 =	sne.s32 s1, $0x7F0;
	s31 =	sadd.s32 $0x80, s31;
	s2 =	sadd.s32 $0x1, s2  }
0xba: {  	s18 =	smov.u32 s1;
	s1 =	sadd.s32 $0x10, s1;
	s17 =	sand.u32 $0x7, s2;
	v11 =	vadd.f32 v11, v15;
	v12 =	vadd.f32 v12, v14;
	v14 =	vld [tilespmem:s3+$0x14100]  }
0xbb: {  	s17 =	sshll.u32 s17, $0x4;
	v15 =	vld [tilespmem:s3+$0x10200]  }
0xbc: {  	s19 =	sadd.s32 s17, s31;
	v4 =	vadd.f32 v4, v11;
	v11 =	vld [tilespmem:s3+$0xC300]  }
0xbd: {  	s17 =	sor.u32 $0x380, s15;
	v9 =	vadd.f32 v13, v9;
	s15 =	smov.u32 s19  }
0xbe: {  	[tilespmem:s3+$0x18080] =	vst v4;
	v4 =	vadd.f32 v6, v5;
	v5 =	vadd.f32 v10, v8  }
0xbf: {  	v6 =	vld [tilespmem:s17+$0x80];
	v8 =	vadd.f32 v14, v12  }
0xc0: {  	v10 =	vld [tilespmem:s3+$0x4080];
	[tilespmem:s3+$0x18180] =	vst v9;
	v5 =	vadd.f32 v15, v5  }
0xc1: {  	v7 =	vadd.f32 v11, v7;
	[tilespmem:s3+$0x18380] =	vst v8  }
0xc2: {  	v8 =	vld [tilespmem:s3+$0x4100];
	[tilespmem:s3+$0x18300] =	vst v5  }
0xc3: {  	[tilespmem:s3+$0x18280] =	vst v7  }
0xc4: {  	v3 =	vadd.f32 v6, v3;
	v5 =	vld [tilespmem:s3+$0x4180];
	[tilespmem:s3+$0x18200] =	vst v4;
	_ =	sdelay $0x1  }
0xc5: {  	v3 =	vadd.f32 v10, v3;
	v4 =	vld [tilespmem:s3+$0x4200];
	_ =	sdelay $0x1  }
0xc6: {  	v3 =	vadd.f32 v8, v3;
	_ =	sdelay $0x1  }
0xc7: {  	v3 =	vadd.f32 v5, v3;
	_ =	sdelay $0x1  }
0xc8: {  	v3 =	vadd.f32 v4, v3;
	_ =	sdelay $0x1  }
0xc9: {  	[tilespmem:s3+$0x18100] =	vst v3;
	v3 =	vld [tilespmem:s3+$0x14180]  }
0xca: {  	v4 =	vld [tilespmem:s17+$0x18080]  }
0xcb: {  	v5 =	vld [tilespmem:s3+$0x14200];
	_ =	sdelay $0x1  }
0xcc: {  	v6 =	vld [tilespmem:s3+$0x14280];
	_ =	sdelay $0x1  }
0xcd: {  	v3 =	vadd.f32 v3, v4;
	v4 =	vld [tilespmem:s3+$0x14300]  }
0xce: {  	s18 =	sand.u32 $0x70, s18;
	s19 =	sand.u32 $0x3C00, s31  }
0xcf: {  	s18 =	sor.u32 s18, s19;
	v3 =	vadd.f32 v5, v3;
	v5 =	vld [tilespmem:s3+$0x14380];
	_ =	sdelay $0x1  }
0xd0: {  	v3 =	vadd.f32 v6, v3;
	v6 =	vld [tilespmem:s3+$0x14400];
	s3 =	smov.u32 s18;
	_ =	sdelay $0x1  }
0xd1: {  	v3 =	vadd.f32 v4, v3;
	_ =	sdelay $0x1  }
0xd2: {  	v3 =	vadd.f32 v5, v3;
	_ =	sdelay $0x1  }
0xd3: {  	v3 =	vadd.f32 v6, v3;
	_ =	sdelay $0x1  }
0xd4: {  	[tilespmem:s17+$0x18080] =	vst v3  }
0xd5: {  	v6 =	vld [tilespmem:s3+$0xC200]  }
0xd6: {  	v7 =	vld [tilespmem:s3+$0x10400]  }
0xd7: {  	v8 =	vld [tilespmem:s3+$0xC180]  }
0xd8: {  	v5 =	vld [tilespmem:s3+$0x8380]  }
0xd9: {  	v4 =	vld [tilespmem:s3+$0x4400]  }
0xda: {  	v9 =	vld [tilespmem:s3+$0x4380]  }
0xdb: {  	v10 =	vld [tilespmem:s3+$0x8300]  }
0xdc: {  	v11 =	vld [tilespmem:s3+$0x8280]  }
0xdd: {  	v12 =	vld [tilespmem:s3+$0xC100]  }
0xde: {  	v13 =	vld [tilespmem:s3+$0x4300]  }
0xdf: {  	v14 =	vld [tilespmem:s3+$0x10080]  }
0xe0: {  	v3 =	vld [tilespmem:s3+$0x18100]  }
0xe1: {  	v15 =	vld [tilespmem:s3+$0x18180]  }
0xe2: {  	v16 =	vld [tilespmem:s3+$0x8180]  }
0xe3: {  	v17 =	vld [tilespmem:s3+$0x380]  }
0xe4: {  	v18 =	vld [tilespmem:s3+$0x10380]  }
0xe5: {  	v19 =	vld [tilespmem:s3+$0x8200]  }
0xe6: {  	v20 =	vld [tilespmem:s3+$0xC380]  }
0xe7: {  	v21 =	vld [tilespmem:s3+$0x4280]  }
0xe8: {  	v3 =	vadd.f32 v17, v3;
	v17 =	vld [tilespmem:s3+$0x18280]  }
0xe9: {  	v22 =	vld [tilespmem:s3+$0xC400]  }
0xea: {  	v23 =	vld [tilespmem:s3+$0x18200]  }
0xeb: {  	v24 =	vld [tilespmem:s3+$0x100]  }
0xec: {  	v15 =	vadd.f32 v21, v15;
	v21 =	vld [tilespmem:s3+$0x10300]  }
0xed: {  	v25 =	vld [tilespmem:s3+$0x18300]  }
0xee: {  	v13 =	vadd.f32 v13, v15;
	v15 =	vld [tilespmem:s3+$0xC080]  }
0xef: {  	v16 =	vadd.f32 v16, v23;
	v23 =	vld [tilespmem:s3+$0x18380]  }
0xf0: {  	v9 =	vadd.f32 v9, v13;
	v13 =	vld [tilespmem:s3+$0x10280]  }
0xf1: {  	v26 =	vld [tilespmem:s3+$0x80];
	v16 =	vadd.f32 v19, v16  }
0xf2: {  	v19 =	vld [tilespmem:s3+$0x18080];
	v9 =	vadd.f32 v4, v9  }
0xf3: {  	v4 =	vld [tilespmem:s3+$0x300];
	v11 =	vadd.f32 v11, v16;
	v16 =	vadd.f32 v20, v25  }
0xf4: {  	v15 =	vadd.f32 v15, v17;
	v20 =	vld [tilespmem:s3+$0x200]  }
0xf5: {  	v17 =	vld [tilespmem:s3+$0x180];
	v10 =	vadd.f32 v10, v11;
	v16 =	vadd.f32 v22, v16  }
0xf6: {  	v11 =	vadd.f32 v12, v15;
	v12 =	vadd.f32 v13, v23;
	v22 =	vld [tilespmem:s3+$0x8080]  }
0xf7: {  	v13 =	vadd.f32 v26, v19;
	v5 =	vadd.f32 v5, v10;
	v10 =	vld [tilespmem:s3+$0x10100]  }
0xf8: {  	v8 =	vadd.f32 v8, v11;
	v12 =	vadd.f32 v21, v12;
	v19 =	vld [tilespmem:s3+$0xC280]  }
.Ltmp0:
0xf9: {  	v14 =	vadd.f32 v14, v16;
	v13 =	vadd.f32 v24, v13;
	v11 =	vld [tilespmem:s3+$0x280];
	(pc) =	sbr.rel @p0 .LBB2_3-.Ltmp0, $4  }
0xfa: {  	v16 =	vadd.f32 v6, v8;
	v15 =	vadd.f32 v18, v12;
	v12 =	vld [tilespmem:s3+$0x14080]  }
0xfb: {  	v13 =	vadd.f32 v17, v13;
	v9 =	vadd.f32 v22, v9;
	v6 =	vld [tilespmem:s3+$0x8400]  }
0xfc: {  	v8 =	vadd.f32 v10, v14;
	v10 =	vld [tilespmem:s3+$0x10180];
	v14 =	vadd.f32 v7, v15  }
0xfd: {  	v15 =	vadd.f32 v20, v13;
	v13 =	vld [tilespmem:s3+$0x8100];
	v7 =	vadd.f32 v19, v16  }
0xfe: {  	_ = 	snop  }
0xff: {  	v11 =	vadd.f32 v11, v15;
	_ =	sdelay $0x1  }
0x100: {  	v4 =	vadd.f32 v4, v11;
	_ =	sdelay $0x1  }
0x101: {  	s1 =	sor.u32 $0x380, s15;
	[tilespmem:s3+$0x18080] =	vst v4  }
0x102: {  	v50 =	vld [tilespmem:s1+$0x80];
	_ =	sdelay $0x1  }
0x103: {  	v52 =	vld [tilespmem:s3+$0x4080]  }
0x104: {  	v47 =	vld [tilespmem:s3+$0x14100]  }
0x105: {  	v54 =	vld [tilespmem:s3+$0x4100]  }
0x106: {  	v16 =	vld [tilespmem:s3+$0x10200];
	v3 =	vadd.f32 v50, v3  }
0x107: {  	v56 =	vld [tilespmem:s3+$0x4180]  }
0x108: {  	v48 =	vld [tilespmem:s3+$0xC300];
	v12 =	vadd.f32 v12, v14;
	v3 =	vadd.f32 v52, v3  }
0x109: {  	v57 =	vld [tilespmem:s3+$0x4200];
	v55 =	vadd.f32 v6, v5;
	v49 =	vadd.f32 v13, v9  }
0x10a: {  	v8 =	vadd.f32 v10, v8;
	v3 =	vadd.f32 v54, v3  }
0x10b: {  	v51 =	vadd.f32 v47, v12;
	[tilespmem:s3+$0x18180] =	vst v49  }
0x10c: {  	v53 =	vadd.f32 v16, v8;
	[tilespmem:s3+$0x18200] =	vst v55;
	v3 =	vadd.f32 v56, v3  }
0x10d: {  	v7 =	vadd.f32 v48, v7;
	[tilespmem:s3+$0x18380] =	vst v51  }
0x10e: {  	[tilespmem:s3+$0x18300] =	vst v53;
	v3 =	vadd.f32 v57, v3  }
0x10f: {  	[tilespmem:s3+$0x18280] =	vst v7  }
0x110: {  	[tilespmem:s3+$0x18100] =	vst v3;
	v3 =	vld [tilespmem:s3+$0x14180]  }
0x111: {  	v58 =	vld [tilespmem:s1+$0x18080];
	_ =	sdelay $0x1  }
0x112: {  	v59 =	vld [tilespmem:s3+$0x14200];
	_ =	sdelay $0x1  }
0x113: {  	v60 =	vld [tilespmem:s3+$0x14280]  }
0x114: {  	v3 =	vadd.f32 v3, v58  }
0x115: {  	v61 =	vld [tilespmem:s3+$0x14300]  }
0x116: {  	v3 =	vadd.f32 v59, v3  }
0x117: {  	v62 =	vld [tilespmem:s3+$0x14380]  }
0x118: {  	v3 =	vadd.f32 v60, v3  }
0x119: {  	v63 =	vld [tilespmem:s3+$0x14400]  }
0x11a: {  	v3 =	vadd.f32 v61, v3;
	_ =	sdelay $0x1  }
0x11b: {  	v3 =	vadd.f32 v62, v3;
	_ =	sdelay $0x1  }
0x11c: {  	s30 =	sadd.s32 $0x1, s30;
	v3 =	vadd.f32 v63, v3  }
0x11d: {  	s19 =	rddreg [dreg:$0x1];
	p0 =	sne.s32 s30, $0x8  }
.Ltmp1:
0x11e: {  	s31 =	simm.s32 $0x0;
	s0 =	sadd.s32 s19, s0;
	[tilespmem:s1+$0x18080] =	vst v3;
	(pc) =	sbr.rel @p0 .LBB2_2-.Ltmp1, $4  }
0x11f: {  	[hbm4b:s0+s31] =	stream.linear.scatter [tilespmem:s29], [sflag:$0x2], $0x4000, $0x38;
	[tilespmem:$0x1C080] =	vst v63  }
0x120: {  	_ =	swait.ge [sflag:s16], $0x4000  }
0x121: {  	[sflag:s16] =	ssyncset.done $0x0  }
0x122: {  	[sflag:s16] =	ssyncadd.s32 $0xFFFFC000  }
0x123: {  	s1 =	rddreg [dreg:$0x4]  }
0x124: {  	s0 =	rddreg [dreg:$0x3];
	s1 =	sadd.s32 $0x1, s1  }
0x125: {  	p0 =	sne.s32 s1, s0  }
.Ltmp2:
0x126: {  	_ = 	snop;
	(pc) =	sbr.rel @p0 .LBB2_1-.Ltmp2, $1  }
0x127: {  	_ =	sdelay $0x3  }
0x128: {  	_ =	sfence.sel $0x180000  }
0x129: {  	[bflag:$0x0] =	sbarrier.arrive $0xFFFF  }
0x12a: {  	_ =	strace $0x90000053  }
0x12b: {  	s0 =	stileid.u32;
	[bflag:$0x2] =	sbarrier.arrive $0xFFFF  }
0x12c: {  	p0 =	sne.s32 s0, $0x0;
	s0 =	rddreg [dreg:$0x2]  }
0x12d: {  	s0 =	sadd.s32 @!p0 $0x100000, s0  }
0x12e: {  	[sflag:s0] =	ssyncadd.tile.s32 @!p0 $0x1;
	_ =	shalt  }
.Lfunc_end2:
_tile_overlayer_lowered:
.L_overlay_start_2:
0x12f: {  	(tag) =	ssettag $0x2  }
0x130: {  	s0 =	rddreg [dreg:$0x0];
	s2 =	stileid.u32  }
0x131: {  	s1 =	rddreg [dreg:$0x1];
	p0 =	sne.s32 s2, $0x0  }
0x132: {  	s3 =	rddreg [dreg:$0x2];
	[bflag:$0x3] =	sbarrier.arrive $0xFFFF;
	s2 =	simm.s32 @!p0 $0x1C02  }
0x133: {  	[timem:s3], [sflag:s2] =	dma.local @!p0 [hbm:s0], s1  }
0x134: {  	s0 =	simm.s32 @!p0 $0x2  }
0x135: {  	_ =	swait.ge @!p0 [sflag:s0], s1  }
0x136: {  	s1 =	ssub.s32 @!p0 $0x0, s1;
	[sflag:s0] =	ssyncset.done @!p0 $0x0  }
0x137: {  	[sflag:s0] =	ssyncadd.s32 @!p0 s1  }
0x138: {  	[bflag:$0x3] =	sbarrier.arrive $0xFFFF  }
0x139: {  	_ =	shalt  }

// kernel: scatter_offload_async_start
scs
__scs_entry_jumppad:
0x0: {  	(pc) =	sbr.rel $0x88, $3  }
0x1: {  	(tag) =	ssettag $0x0;
	lr =	simm.s32 $0x1  }
0x2: {  	[smem:$0x3F98] =	sst lr;
	_ =	strace $0xD0000000  }
0x3: {  	_ = 	snop  }
0x4: {  	_ = 	snop  }
0x5: {  	_ = 	snop  }
0x6: {  	_ = 	snop  }
0x7: {  	_ = 	snop  }
__scs_overlays_trampoline_lowered:
0x8: {  	[smem:$0x3FA7] =	sst s0  }
0x9: {  	[smem:$0x3FA8] =	sst s1  }
0xa: {  	[smem:$0x3FA9] =	sst s2  }
0xb: {  	[smem:$0x3FAA] =	sst s3  }
0xc: {  	[smem:$0x3FAB] =	sst s4  }
0xd: {  	[smem:$0x3FAC] =	sst s5  }
0xe: {  	[smem:$0x3FAD] =	sst s6  }
0xf: {  	[smem:$0x3FAE] =	sst s7  }
0x10: {  	[smem:$0x3FAF] =	sst s8  }
0x11: {  	[smem:$0x3FB0] =	sst s9;
	s0 =	simm.s32 @!p0 $0x0  }
0x12: {  	s1 =	sld [smem:$0x3F96];
	s0 =	simm.s32 @p0 $0x1  }
0x13: {  	[smem:$0x3FB1] =	sst s0;
	s0 =	simm.s32 @!p1 $0x0  }
0x14: {  	s2 =	sld [smem:$0x3F95];
	s0 =	simm.s32 @p1 $0x1  }
0x15: {  	[smem:$0x3FB2] =	sst s0;
	s0 =	simm.s32 @!p2 $0x0  }
0x16: {  	s3 =	sld [smem:$0x3FDB];
	s0 =	simm.s32 @p2 $0x1  }
0x17: {  	s4 =	simm.s32 $0x1BF5;
	[smem:$0x3FB4] =	sst s0  }
0x18: {  	s0 =	sld [smem:$0x3F97];
	_ =	swait.ge [sflag:s4], $0x0  }
0x19: {  	s7 =	sld [smem:$0x3F98]  }
0x1a: {  	s8 =	sadd.s32 $0xFFFFE003, lr  }
0x1b: {  	s9 =	sadd.s32 $0xFFFFFEF7, lr;
	s5 =	simm.s32 $0xFFFFFFFF;
	p2 =	slt.u32 s8, $0xFFFFF086  }
0x1c: {  	p1 =	slt.u32 s9, $0xF7A;
	s5 =	simm.s32 @!p2 $0x0  }
0x1d: {  	s5 =	simm.s32 @p1 $0x1;
	p0 =	seq.s32 s7, s2  }
0x1e: {  	s7 =	smul.u32 @!p0 $0xF7A, s2;
	p2 =	seq.s32 @!p0 s5, $0x0  }
0x1f: {  	s9 =	smul.u32 $0xF7A, s1;
	s8 =	simm.s32 @!p0 $0x1BF5;
	p2 =	por !p2, p0  }
0x20: {  	[sflag:s8] =	ssyncset.s32 @!p0 $0xFFFFF086;
	s6 =	sadd.s32 @!p0 s3, s7;
	s7 =	simm.s32 @!p0 $0x108  }
0x21: {  	s3 =	sadd.s32 s3, s9;
	s6 =	sadd.s32 @!p0 $0x88, s6;
	s7 =	simm.s32 @p2 $0x1082  }
0x22: {  	[simem:s7], [sflag:s8] =	dma.local @!p0 [hbm:s6], $0xF7A  }
0x23: {  	s9 =	sor.u32 $0xD0000000, s2;
	s6 =	simm.s32 $0x108;
	_ =	swait.ge @!p0 [sflag:s8], $0x0  }
0x24: {  	s3 =	sadd.s32 $0x88, s3;
	s6 =	simm.s32 @!p1 $0x1082;
	[sflag:s4] =	ssyncset.s32 $0xFFFFF086  }
0x25: {  	[simem:s6], [sflag:s4] =	dma.local [hbm:s3], $0xF7A  }
0x26: {  	[smem:$0x3F98] =	sst s1;
	(tag) =	ssettag s2;
	_ =	strace s9  }
0x27: {  	s1 =	sld [smem:$0x3FA8]  }
0x28: {  	s2 =	sld [smem:$0x3FA9]  }
0x29: {  	s4 =	sld [smem:$0x3FAB]  }
0x2a: {  	p0 =	seq.s32 s5, $0x0;
	s5 =	sld [smem:$0x3FAC]  }
0x2b: {  	s6 =	sld [smem:$0x3FAD]  }
0x2c: {  	s7 =	sld [smem:$0x3FAE]  }
0x2d: {  	s3 =	simm.s32 $0x108;
	s8 =	sld [smem:$0x3FAF]  }
0x2e: {  	s3 =	simm.s32 @!p0 $0x1082;
	s9 =	sld [smem:$0x3FB0]  }
0x2f: {  	lr =	sadd.s32 s0, s3;
	s0 =	sld [smem:$0x3FA7]  }
0x30: {  	s3 =	sld [smem:$0x3FAA]  }
0x31: {  	[smem:$0x3FB3] =	sst s10  }
0x32: {  	s10 =	sld [smem:$0x3FB1];
	_ =	sdelay $0x3  }
0x33: {  	p0 =	seq.s32 s10, $0x1;
	s10 =	sld [smem:$0x3FB3];
	_ =	sdelay $0x3  }
0x34: {  	[smem:$0x3FB3] =	sst s10  }
0x35: {  	s10 =	sld [smem:$0x3FB2];
	_ =	sdelay $0x3  }
0x36: {  	p1 =	seq.s32 s10, $0x1;
	s10 =	sld [smem:$0x3FB3];
	_ =	sdelay $0x3  }
0x37: {  	[smem:$0x3FB3] =	sst s10  }
0x38: {  	s10 =	sld [smem:$0x3FB4]  }
0x39: {  	_ = 	snop;
	(pc) =	sbr.ind lr, $3  }
0x3a: {  	_ = 	snop  }
0x3b: {  	_ = 	snop  }
0x3c: {  	p2 =	seq.s32 s10, $0x1;
	s10 =	sld [smem:$0x3FB3]  }
0x3d: {  	_ =	shalt  }
0x3e: {  	_ =	shalt  }
0x3f: {  	_ =	shalt  }
0x40: {  	_ =	shalt  }
0x41: {  	_ =	shalt  }
0x42: {  	_ =	shalt  }
0x43: {  	_ =	shalt  }
0x44: {  	_ =	shalt  }
0x45: {  	_ =	shalt  }
0x46: {  	_ =	shalt  }
0x47: {  	_ =	shalt  }
0x48: {  	_ =	shalt  }
0x49: {  	_ =	shalt  }
0x4a: {  	_ =	shalt  }
0x4b: {  	_ =	shalt  }
0x4c: {  	_ =	shalt  }
0x4d: {  	_ =	shalt  }
0x4e: {  	_ =	shalt  }
0x4f: {  	_ =	shalt  }
0x50: {  	_ =	shalt  }
0x51: {  	_ =	shalt  }
0x52: {  	_ =	shalt  }
0x53: {  	_ =	shalt  }
0x54: {  	_ =	shalt  }
0x55: {  	_ =	shalt  }
0x56: {  	_ =	shalt  }
0x57: {  	_ =	shalt  }
0x58: {  	_ =	shalt  }
0x59: {  	_ =	shalt  }
0x5a: {  	_ =	shalt  }
0x5b: {  	_ =	shalt  }
0x5c: {  	_ =	shalt  }
0x5d: {  	_ =	shalt  }
0x5e: {  	_ =	shalt  }
0x5f: {  	_ =	shalt  }
0x60: {  	_ =	shalt  }
0x61: {  	_ =	shalt  }
0x62: {  	_ =	shalt  }
0x63: {  	_ =	shalt  }
0x64: {  	_ =	shalt  }
0x65: {  	_ =	shalt  }
0x66: {  	_ =	shalt  }
0x67: {  	_ =	shalt  }
0x68: {  	_ =	shalt  }
0x69: {  	_ =	shalt  }
0x6a: {  	_ =	shalt  }
0x6b: {  	_ =	shalt  }
0x6c: {  	_ =	shalt  }
0x6d: {  	_ =	shalt  }
0x6e: {  	_ =	shalt  }
0x6f: {  	_ =	shalt  }
0x70: {  	_ =	shalt  }
0x71: {  	_ =	shalt  }
0x72: {  	_ =	shalt  }
0x73: {  	_ =	shalt  }
0x74: {  	_ =	shalt  }
0x75: {  	_ =	shalt  }
0x76: {  	_ =	shalt  }
0x77: {  	_ =	shalt  }
0x78: {  	_ =	shalt  }
0x79: {  	_ =	shalt  }
0x7a: {  	_ =	shalt  }
0x7b: {  	_ =	shalt  }
0x7c: {  	_ =	shalt  }
0x7d: {  	_ =	shalt  }
0x7e: {  	_ =	shalt  }
0x7f: {  	_ =	shalt  }
0x80: {  	_ =	shalt  }
0x81: {  	_ =	shalt  }
0x82: {  	_ =	shalt  }
0x83: {  	_ =	shalt  }
0x84: {  	_ =	shalt  }
0x85: {  	_ =	shalt  }
0x86: {  	_ =	shalt  }
0x87: {  	_ =	shalt  }
.Lfunc_end0:
.L_simem_size_0:
called_computation_lowered:
.L_overlay_start_0:
0x88: {  	s0 =	sld [smem:$0x3FD9]  }
0x89: {  	s1 =	sld [smem:$0x3FFE];
	_ =	sdelay $0x3  }
0x8a: {  	s0 =	sadd.s32 s1, s0  }
0x8b: {  	[smem:$0x3FBF] =	sst s0  }
0x8c: {  	_ = 	snop  }
0x8d: {  	s0 =	sld [smem:$0x3FD0];
	(tm) =	ssettm $0x1  }
0x8e: {  	s16 =	sld [smem:$0x3FFB];
	_ =	sdelay $0x3  }
0x8f: {  	_ =	strace s16  }
0x90: {  	s1 =	sld [smem:$0x3FFC];
	_ =	sdelay $0x3  }
0x91: {  	_ =	strace s1  }
0x92: {  	s1 =	sld [smem:$0x3FFD];
	_ =	sdelay $0x3  }
0x93: {  	_ =	strace s1  }
0x94: {  	_ =	strace $0x8FFFFFFF  }
0x95: {  	s17 =	sld [smem:$0x3FDB];
	_ =	sdelay $0x1  }
0x96: {  	s2 =	simm.s32 $_scs_section_size  }
0x97: {  	s3 =	simm.s32 $_size__tile_overlayer_lowered;
	s4 =	simm.s32 $_tile_overlayer_lowered  }
0x98: {  	s20 =	simm.s32 $0x1BFF;
	s19 =	sshll.u32 s4, $0x1;
	s1 =	sadd.s32 s2, s17  }
0x99: {  	s5 =	simm.s32 $0x0;
	s18 =	sshll.u32 s3, $0x1;
	s3 =	sadd.s32 s19, s1  }
0x9a: {  	[timem:s5], [sflag:s20] =	dma.local [hbm:s3], s18  }
0x9b: {  	_ =	swait.ge [sflag:s20], s18  }
0x9c: {  	s2 =	ssub.s32 $0x0, s18;
	[sflag:s20] =	ssyncset.done $0x0  }
0x9d: {  	[sflag:s20] =	ssyncadd.s32 s2;
	_ =	sdelay $0x1  }
0x9e: {  	s21 =	simm.s32 $0x1B8B  }
0x9f: {  	_ =	swait.ge [sflag:s21], $0x1  }
0xa0: {  	[sflag:s21] =	ssyncset.done $0x0  }
0xa1: {  	s23 =	simm.s32 $0x1B8E;
	s22 =	sld [smem:$0x3FFE];
	[sflag:s21] =	ssyncadd.s32 $0xFFFFFFFF  }
0xa2: {  	s24 =	simm.s32 $execute0_lowered;
	[smem:$0x3FD2] =	sst s23  }
0xa3: {  	s3 =	sshll.u32 s24, $0x1;
	_ =	strace $0x80000046;
	[dreg:$0x1] =	wrdreg $0xFFFFFFFF  }
0xa4: {  	s25 =	simm.s32 $_size_execute0_lowered;
	s1 =	sadd.s32 s1, s3;
	[dreg:$0x0] =	wrdreg $0x0  }
0xa5: {  	s3 =	sshll.u32 s25, $0x1;
	[dreg:$0x2] =	wrdreg s1  }
0xa6: {  	[dreg:$0x3] =	wrdreg s3  }
0xa7: {  	[dreg:$0x4] =	wrdreg $0xC0  }
0xa8: {  	_ =	task [dreg:s5], $0x5FFFF  }
0xa9: {  	[dreg:$0x1] =	wrdreg $0xFFFFFFFF  }
0xaa: {  	[dreg:$0x0] =	wrdreg $0x60  }
0xab: {  	[dreg:$0x2] =	wrdreg s22  }
0xac: {  	[dreg:$0x3] =	wrdreg s0  }
0xad: {  	[dreg:$0x4] =	wrdreg $0x9  }
0xae: {  	_ =	task.clear_ibuf [dreg:s5], $0x5FFFF;
	_ =	strace $0x90000046  }
0xaf: {  	s26 =	simm.s32 $0x9;
	_ =	strace $0x80000048  }
0xb0: {  	_ =	swait.ge [sflag:s26], $0x1  }
0xb1: {  	[sflag:s26] =	ssyncadd.s32 $0xFFFFFFFF  }
0xb2: {  	_ =	strace $0x90000048  }
0xb3: {  	_ =	sfence  }
0xb4: {  	s28 =	sld [smem:$0x0];
	_ =	sdelay $0x1  }
0xb5: {  	s29 =	srdreg.scid  }
0xb6: {  	s30 =	sshll.u32 s29, $0xD;
	s31 =	sshrl.u32 s29, $0x2  }
0xb7: {  	s2 =	sand.u32 $0x4000, s30;
	s1 =	sand.u32 $0x1, s29;
	s0 =	sadd.s32 s31, s28  }
0xb8: {  	s1 =	sor.u32 s2, s1;
	s0 =	sshll.u32 s0, $0x11  }
0xb9: {  	s0 =	sor.u32 s0, s1  }
0xba: {  	s0 =	sadd.s32 $0x8F2B, s0  }
0xbb: {  	[sflag:s0] =	ssyncadd.remote.s32 $0x1  }
0xbc: {  	_ =	sfence.sel $0xFFFF  }
0xbd: {  	[dreg:$0x0] =	wrdreg $0xFFFFFFFF;
	(pc) =	sbr.abs _section_cstart, $3  }
0xbe: {  	[dreg:$0x1] =	wrdreg $0xFFFFFFFF  }
0xbf: {  	_ =	task.clear_ibuf [dreg:s5], $0x2FFFF;
	_ =	strace $0x9FFFFFFF  }
0xc0: {  	(tm) =	ssettm $0x7FFFFFFF  }
0xc1: {  	_ =	shalt  }
tec
execute0_lowered:
.L_overlay_start_1:
0x0: {  	(tag) =	ssettag $0x1  }
0x1: {  	s2 =	rddreg [dreg:$0x0]  }
0x2: {  	s3 =	rddreg [dreg:$0x1]  }
0x3: {  	s0 =	rddreg [dreg:$0x2];
	_ =	strace $0x80000047;
	s4 =	stileid.u32  }
0x4: {  	s5 =	simm.s32 $0x3E;
	s1 =	sadd.s32 $0x1200, s2;
	p0 =	sne.s32 s4, $0x0  }
0x5: {  	[sflag:s5] =	ssyncpa.u1 $0x0;
	s6 =	simm.s32 @!p0 $0x1C3E;
	s7 =	simm.s32 @!p0 $0x0  }
0x6: {  	[spmem:s7], [sflag:s6] =	dma.local @!p0 [hbm:s1], $0x10  }
0x7: {  	s6 =	simm.s32 @!p0 $0x3E  }
0x8: {  	_ =	swait.ge @!p0 [sflag:s6], $0x10  }
0x9: {  	[sflag:s6] =	ssyncset.done @!p0 $0x0  }
0xa: {  	[sflag:s6] =	ssyncadd.s32 @!p0 $0xFFFFFFF0  }
0xb: {  	s28 =	simm.s32 $0x1;
	s29 =	simm.s32 $0x2;
	[bflag:$0x0] =	sbarrier.arrive $0xFFFF  }
0xc: {  	s31 =	simm.s32 $0x308;
	s4 =	smul.u32 $0x60, s4;
	[sflag:s5] =	ssyncpa.u1 $0x1  }
0xd: {  	s30 =	sadd.s32 $0x1400, s2;
	s2 =	simm.s32 $0x0;
	[sflag:s28] =	ssyncpa.u1 $0x0  }
0xe: {  	s3 =	sadd.s32 s3, s4;
	(ifvalue) =	ssetifvalue $0x80;
	[sflag:s29] =	ssyncpa.u1 $0x0  }
0xf: {  	[tilespmem:s31], [sflag:$0x2] =	stream.linear.gather [hbm4b:s3+s2], $0x300, $0x38;
	[tilespmem:$0xC08] =	vst v63  }
0x10: {  	s4 =	sadd.s32 s30, s4;
	s3 =	simm.s32 $0x908  }
0x11: {  	[tilespmem:s3], [sflag:$0x2] =	stream.linear.gather [hbm4b:s4+s2], $0x300, $0x38;
	[tilespmem:$0xC08] =	vst v63  }
0x12: {  	_ =	swait.ge [sflag:s29], $0x600  }
0x13: {  	[sflag:s29] =	ssyncset.done $0x0  }
0x14: {  	[sflag:s29] =	ssyncadd.s32 $0xFFFFFA00  }
0x15: {  	v0 =	vld.msk [tilespmem:s31+$0x0 ss:$0x1], $0xffff;
	_ =	sdelay $0x4  }
0x16: {  	v0 =	vmin.u32 v0, $0x80;
	_ =	sdelay $0x3  }
0x17: {  	vm0 =	vmmov $0xffff;
	s5 =	simm.s32 $0x318;
	s4 =	simm.s32 $0x0  }
0x18: {  	[spmem:s2] =	stream.indirect_vreg.scatter.add.s32 [tilespmem:s3], [sflag:$0x1], $0x1, v0, vm0, $0x4038;
	[tilespmem:$0xC08] =	vst v63  }
.LBB2_1:
0x19: {  	v0 =	vld.msk [tilespmem:s5+$0x0 ss:$0x1], $0xffff;
	s4 =	sadd.s32 $0x10, s4  }
0x1a: {  	p1 =	slt.u32 s4, $0x2F0;
	_ =	sdelay $0x4  }
0x1b: {  	v0 =	vmin.u32 v0, $0x80  }
.Ltmp0:
0x1c: {  	(pc) =	sbr.rel @p1 .LBB2_1-.Ltmp0, $3  }
0x1d: {  	_ =	sdelay $0x1  }
0x1e: {  	s5 =	sadd.s32 $0x10, s5;
	s3 =	sadd.s32 $0x10, s3  }
0x1f: {  	[spmem:s2] =	stream.indirect_vreg.scatter.add.s32 [tilespmem:s3], [sflag:$0x1], $0x1, v0, vm0, $0x4038;
	[tilespmem:$0xC08] =	vst v63  }
0x20: {  	s2 =	simm.s32 $0x1  }
0x21: {  	_ =	swait.ge [sflag:s2], $0x300  }
0x22: {  	[sflag:s2] =	ssyncset.done $0x0  }
0x23: {  	[sflag:s2] =	ssyncadd.s32 $0xFFFFFD00  }
0x24: {  	_ =	sfence.sel $0x180000  }
0x25: {  	s3 =	simm.s32 $0x2;
	[bflag:$0x0] =	sbarrier.arrive $0xFFFF  }
0x26: {  	[sflag:s3] =	ssyncpa.u1 $0x1  }
0x27: {  	[sflag:s2] =	ssyncpa.u1 $0x1  }
0x28: {  	_ =	sfence.stream.spmem  }
0x29: {  	s31 =	simm.s32 $0x3D;
	[bflag:$0x0] =	sbarrier.arrive $0xFFFF  }
0x2a: {  	s2 =	simm.s32 @p0 $0x3D;
	[sflag:s31] =	ssyncpa.u1 $0x0  }
0x2b: {  	[sflag:s2] =	ssyncpa.u1 @p0 $0x1  }
0x2c: {  	[bflag:$0x0] =	sbarrier.arrive @p0 $0xFFFF  }
0x2d: {  	_ =	strace @p0 $0x90000047  }
0x2e: {  	s3 =	simm.s32 @!p0 $0x1C3D;
	s2 =	simm.s32 @!p0 $0x0;
	[bflag:$0x2] =	sbarrier.arrive @p0 $0xFFFF  }
0x2f: {  	[hbm:s1], [sflag:s3] =	dma.local @!p0 [spmem:s2], $0x10  }
0x30: {  	s1 =	simm.s32 @!p0 $0x3D  }
0x31: {  	_ =	swait.ge @!p0 [sflag:s1], $0x10  }
0x32: {  	[sflag:s1] =	ssyncset.done @!p0 $0x0  }
0x33: {  	[sflag:s1] =	ssyncadd.s32 @!p0 $0xFFFFFFF0  }
0x34: {  	[sflag:s1] =	ssyncpa.u1 @!p0 $0x1  }
0x35: {  	[bflag:$0x0] =	sbarrier.arrive @!p0 $0xFFFF  }
0x36: {  	_ =	strace @!p0 $0x90000047  }
0x37: {  	s0 =	sadd.s32 @!p0 $0x100000, s0;
	[bflag:$0x2] =	sbarrier.arrive @!p0 $0xFFFF  }
0x38: {  	[sflag:s0] =	ssyncadd.tile.s32 @!p0 $0x1;
	_ =	shalt  }
.Lfunc_end2:
_tile_overlayer_lowered:
.L_overlay_start_2:
0x39: {  	(tag) =	ssettag $0x2  }
0x3a: {  	s0 =	rddreg [dreg:$0x0];
	s2 =	stileid.u32  }
0x3b: {  	s1 =	rddreg [dreg:$0x1];
	p0 =	sne.s32 s2, $0x0  }
0x3c: {  	s3 =	rddreg [dreg:$0x2];
	[bflag:$0x3] =	sbarrier.arrive $0xFFFF;
	s2 =	simm.s32 @!p0 $0x1C01  }
0x3d: {  	[timem:s3], [sflag:s2] =	dma.local @!p0 [hbm:s0], s1  }
0x3e: {  	s0 =	simm.s32 @!p0 $0x1  }
0x3f: {  	_ =	swait.ge @!p0 [sflag:s0], s1  }
0x40: {  	s1 =	ssub.s32 @!p0 $0x0, s1;
	[sflag:s0] =	ssyncset.done @!p0 $0x0  }
0x41: {  	[sflag:s0] =	ssyncadd.s32 @!p0 s1  }
0x42: {  	[bflag:$0x3] =	sbarrier.arrive $0xFFFF  }
0x43: {  	_ =	shalt  }

</sc_bundles>
